<compile_context>
chip_gen: v7x
topology: tpu7x:2x2x1
jax: 0.10.2.dev20260603
libtpu: 0.0.44.dev20260713+nightly
codegen_flags: <defaults>
</compile_context>

<pallas_src>
import jax
import jax.numpy as jnp
from jax.experimental import pallas as pl


def _i32(x):
    return jnp.asarray(x, dtype=jnp.int32)


def _criti_kernel(rn_ref, ori_ref, emb_ref, out_ref):
    H = rn_ref.shape[0]
    K = rn_ref.shape[2]
    TP = ori_ref.shape[1]
    KTP = K * TP
    n_cand = H * K
    ori1 = ori_ref[...]
    em1 = emb_ref[...]
    ori = jnp.concatenate([ori1] * K, axis=1)
    em = jnp.concatenate([em1] * K, axis=1)
    out_ref[:, n_cand * TP:n_cand * TP + TP] = (1.0 - 1.0 / H) * em1
    neg_base = (n_cand + 1) * TP
    for h in range(H):
        p1 = jnp.float32(1.0 - (h + 1) / H)
        p2 = jnp.float32(1.0 - (h + 2) / H)
        lowmask = (1 << h) - 1
        flip = 1 << h
        x4 = rn_ref[h]
        x = jnp.concatenate([x4[:, k, :TP] for k in range(K)], axis=1)
        x = x.astype(jnp.int32)
        m = x & lowmask
        scale = jnp.where(m == lowmask, p2, p1)
        pos = scale * em
        neg = jnp.where(ori == (m | flip), pos, -pos)
        out_ref[:, h * KTP:(h + 1) * KTP] = pos
        out_ref[:, neg_base + h * KTP:neg_base + (h + 1) * KTP] = neg


def kernel(ori_int, random_numbers, emb):
    H, B, K, TP = random_numbers.shape
    NC = 2 * H * K + 1
    rn_v = jax.lax.bitcast_convert_type(random_numbers, jnp.uint32)
    rn_v = rn_v.reshape(H, B, K, 2 * TP)
    ori32 = ori_int.astype(jnp.int32)
    Bb = 128
    out_flat = pl.pallas_call(
        _criti_kernel,
        grid=(B // Bb,),
        in_specs=[
            pl.BlockSpec((H, Bb, K, 2 * TP), lambda i: (_i32(0), i, _i32(0), _i32(0))),
            pl.BlockSpec((Bb, TP), lambda i: (i, _i32(0))),
            pl.BlockSpec((Bb, TP), lambda i: (i, _i32(0))),
        ],
        out_specs=pl.BlockSpec((Bb, NC * TP), lambda i: (i, _i32(0))),
        out_shape=jax.ShapeDtypeStruct((B, NC * TP), jnp.float32),
    )(rn_v, ori32, emb)
    return out_flat.reshape(B, NC, TP)

# --- scband reference (transcript-rebuilt; emitter-appended) ---
"""Pipeline reference for scband-criti-graph-28303834480750 (READ-ONLY COPY).

The authoritative reference and input builder live on the scoring server;
editing this copy changes nothing except your own understanding.
"""

import jax, jax.numpy as jnp
import numpy as np
jax.config.update('jax_enable_x64', True)

H = 16
N_K = 4
B = 2048
TP = 64
N_RANGE = 65536


def setup_inputs(seed: int = 0) -> dict:
    key = jax.random.key(seed)
    k1, k2, k3 = jax.random.split(key, 3)
    ori_int = jax.random.randint(k1, (B, TP), 0, N_RANGE, dtype=jnp.int64)
    random_numbers = jax.random.randint(k2, (H, B, N_K, TP), 0, N_RANGE, dtype=jnp.int64)
    emb = jax.random.normal(k3, (B, TP), dtype=jnp.float32)
    return {'ori_int': ori_int, 'random_numbers': random_numbers, 'emb': emb}


def _connection_masks(random_numbers):
    # masks = random_numbers & (2**level - 1), per bit level
    upper_bounds = (jnp.int64(1) << jnp.arange(H, dtype=jnp.int64))  # (H,)
    masks = random_numbers & (upper_bounds[:, None, None, None] - 1)  # (H, B, K, TP)
    return jnp.transpose(masks, (1, 0, 2, 3))  # (B, H, K, TP)


def _connection(ori_int, random_numbers):
    flip_masks = (jnp.int64(1) << jnp.arange(H, dtype=jnp.int64))[None, :, None]  # (1, H, 1)
    flipped_ints = ori_int[:, None, :] ^ flip_masks  # (B, H, TP)
    random_masks = _connection_masks(random_numbers)  # (B, H, K, TP)
    result = (flipped_ints[:, :, None, :] ^ random_masks).reshape(ori_int.shape[0], H * N_K, TP)
    loc = jnp.concatenate([result, ori_int[:, None, :], -result], axis=1)  # (B, 2*H*K+1, TP)
    return loc


def _cos_similarity(coord1, coord2):
    sg1 = jnp.where(coord1 >= 0, 1, -1)
    sg2 = jnp.where(coord2 >= 0, 1, -1)
    sg = (sg1 * sg2).astype(jnp.float32)
    xor_result = jnp.abs(coord1) ^ jnp.abs(coord2)
    _, exp = jnp.frexp((xor_result + 1).astype(jnp.float32))
    s = exp.astype(jnp.float32) / float(H)
    return sg * (1.0 - s)


def reference(ori_int, random_numbers, emb):
    # candidate location generation (bit-flip + random low-bit perturbation)
    loc = _connection(ori_int, random_numbers)  # (B, N_C, TP) int64
    # discrete cosine-like similarity of each candidate to the original location
    sim = _cos_similarity(loc, ori_int[:, None, :])  # (B, N_C, TP) float32
    # weight similarity scores by the node embedding (float path, as in loom_dyn scoring)
    out = sim * emb[:, None, :]  # (B, N_C, TP)
    return out

if __name__ == "__main__":
    import jax
    _d = setup_inputs()
    print(jax.jit(kernel)(*tuple(_d.values())))

</pallas_src>

<mosaic_0001>
module attributes {stable_mosaic.version = 14 : i64} {
  func.func @_criti_kernel(%arg0: i32, %arg1: memref<16x128x4x128xi32, #tpu.memory_space<vmem>>, %arg2: memref<128x64xi32, #tpu.memory_space<vmem>>, %arg3: memref<128x64xf32, #tpu.memory_space<vmem>>, %arg4: memref<128x8256xf32, #tpu.memory_space<vmem>>) attributes {dimension_semantics = [#tpu.dimension_semantics<arbitrary>], iteration_bounds = array<i64: 16>, scalar_prefetch = 0 : i64, scratch_operands = 0 : i64, tpu.core_type = #tpu.core_type<tc>, window_params = [{transform_indices = @transform_0, window_bounds = array<i64: 16, 128, 4, 128>}, {transform_indices = @transform_1, window_bounds = array<i64: 128, 64>}, {transform_indices = @transform_2, window_bounds = array<i64: 128, 64>}, {transform_indices = @transform_3, window_bounds = array<i64: 128, 8256>}]} {
    %get3A = arith.constant 0 : index
    %get3A_0 = arith.constant 0 : index
    %get3A_1 = vector.load %arg2[%get3A, %get3A_0] : memref<128x64xi32, #tpu.memory_space<vmem>>, vector<128x64xi32>
    %get3A_2 = arith.constant 0 : index
    %get3A_3 = arith.constant 0 : index
    %get3A_4 = vector.load %arg3[%get3A_2, %get3A_3] : memref<128x64xf32, #tpu.memory_space<vmem>>, vector<128x64xf32>
    %concatenate3A = tpu.concatenate %get3A_1, %get3A_1, %get3A_1, %get3A_1 in 1 : vector<128x64xi32>, vector<128x64xi32>, vector<128x64xi32>, vector<128x64xi32> -> vector<128x256xi32>
    %concatenate3A_5 = tpu.concatenate %get3A_4, %get3A_4, %get3A_4, %get3A_4 in 1 : vector<128x64xf32>, vector<128x64xf32>, vector<128x64xf32>, vector<128x64xf32> -> vector<128x256xf32>
    %mul3A = arith.constant 9.375000e-01 : f32
    %mul3A_6 = vector.broadcast %mul3A : f32 to vector<128x64xf32>
    %mul3A_7 = arith.mulf %mul3A_6, %get3A_4 : vector<128x64xf32>
    %swap3A = arith.constant 0 : index
    %swap3A_8 = arith.constant 4096 : index
    %swap3A_9 = vector.load %arg4[%swap3A, %swap3A_8] : memref<128x8256xf32, #tpu.memory_space<vmem>>, vector<128x64xf32>
    tpu.vector_store %arg4[%swap3A, %swap3A_8], %mul3A_7 {strides = array<i32>} : memref<128x8256xf32, #tpu.memory_space<vmem>>, vector<128x64xf32>,
    %get3A_10 = arith.constant 0 : index
    %get3A_11 = arith.constant 0 : index
    %get3A_12 = arith.constant 0 : index
    %get3A_13 = arith.constant 0 : index
    %get3A_14 = vector.load %arg1[%get3A_10, %get3A_11, %get3A_12, %get3A_13] : memref<16x128x4x128xi32, #tpu.memory_space<vmem>>, vector<1x128x4x128xi32>
    %get3A_15 = vector.shape_cast %get3A_14 : vector<1x128x4x128xi32> to vector<128x4x128xi32>
    %slice3A = vector.extract_strided_slice %get3A_15 {offsets = [0, 0, 0], sizes = [128, 1, 64], strides = [1, 1, 1]} : vector<128x4x128xi32> to vector<128x1x64xi32>
    %squeeze3A = vector.shape_cast %slice3A : vector<128x1x64xi32> to vector<128x64xi32>
    %slice3A_16 = vector.extract_strided_slice %get3A_15 {offsets = [0, 1, 0], sizes = [128, 1, 64], strides = [1, 1, 1]} : vector<128x4x128xi32> to vector<128x1x64xi32>
    %squeeze3A_17 = vector.shape_cast %slice3A_16 : vector<128x1x64xi32> to vector<128x64xi32>
    %slice3A_18 = vector.extract_strided_slice %get3A_15 {offsets = [0, 2, 0], sizes = [128, 1, 64], strides = [1, 1, 1]} : vector<128x4x128xi32> to vector<128x1x64xi32>
    %squeeze3A_19 = vector.shape_cast %slice3A_18 : vector<128x1x64xi32> to vector<128x64xi32>
    %slice3A_20 = vector.extract_strided_slice %get3A_15 {offsets = [0, 3, 0], sizes = [128, 1, 64], strides = [1, 1, 1]} : vector<128x4x128xi32> to vector<128x1x64xi32>
    %squeeze3A_21 = vector.shape_cast %slice3A_20 : vector<128x1x64xi32> to vector<128x64xi32>
    %concatenate3A_22 = tpu.concatenate %squeeze3A, %squeeze3A_17, %squeeze3A_19, %squeeze3A_21 in 1 : vector<128x64xi32>, vector<128x64xi32>, vector<128x64xi32>, vector<128x64xi32> -> vector<128x256xi32>
    %and3A = arith.constant 0 : i32
    %and3A_23 = vector.broadcast %and3A : i32 to vector<128x256xi32>
    %and3A_24 = arith.andi %concatenate3A_22, %and3A_23 : vector<128x256xi32>
    %eq3A = arith.constant 0 : i32
    %eq3A_25 = vector.broadcast %eq3A : i32 to vector<128x256xi32>
    %eq3A_26 = arith.cmpi eq, %and3A_24, %eq3A_25 : vector<128x256xi32>
    %jit3A = arith.constant 8.750000e-01 : f32
    %jit3A_27 = arith.constant 9.375000e-01 : f32
    %broadcast_in_dim3A = vector.broadcast %jit3A : f32 to vector<128x256xf32>
    %broadcast_in_dim3A_28 = vector.broadcast %jit3A_27 : f32 to vector<128x256xf32>
    %select_n3A = arith.select %eq3A_26, %broadcast_in_dim3A, %broadcast_in_dim3A_28 : vector<128x256xi1>, vector<128x256xf32>
    %mul3A_29 = arith.mulf %select_n3A, %concatenate3A_5 : vector<128x256xf32>
    %or3A = arith.constant 1 : i32
    %or3A_30 = vector.broadcast %or3A : i32 to vector<128x256xi32>
    %or3A_31 = arith.ori %and3A_24, %or3A_30 : vector<128x256xi32>
    %eq3A_32 = arith.cmpi eq, %concatenate3A, %or3A_31 : vector<128x256xi32>
    %neg3A = arith.constant 0.000000e+00 : f32
    %neg3A_33 = vector.broadcast %neg3A : f32 to vector<128x256xf32>
    %neg3A_34 = arith.subf %neg3A_33, %mul3A_29 : vector<128x256xf32>
    %select_n3A_35 = arith.select %eq3A_32, %mul3A_29, %neg3A_34 : vector<128x256xi1>, vector<128x256xf32>
    %swap3A_36 = arith.constant 0 : index
    %swap3A_37 = arith.constant 0 : index
    %swap3A_38 = vector.load %arg4[%swap3A_36, %swap3A_37] : memref<128x8256xf32, #tpu.memory_space<vmem>>, vector<128x256xf32>
    tpu.vector_store %arg4[%swap3A_36, %swap3A_37], %mul3A_29 {strides = array<i32>} : memref<128x8256xf32, #tpu.memory_space<vmem>>, vector<128x256xf32>,
    %swap3A_39 = arith.constant 0 : index
    %swap3A_40 = arith.constant 4160 : index
    %swap3A_41 = vector.load %arg4[%swap3A_39, %swap3A_40] : memref<128x8256xf32, #tpu.memory_space<vmem>>, vector<128x256xf32>
    tpu.vector_store %arg4[%swap3A_39, %swap3A_40], %select_n3A_35 {strides = array<i32>} : memref<128x8256xf32, #tpu.memory_space<vmem>>, vector<128x256xf32>,
    %get3A_42 = arith.constant 1 : index
    %get3A_43 = arith.constant 0 : index
    %get3A_44 = arith.constant 0 : index
    %get3A_45 = arith.constant 0 : index
    %get3A_46 = vector.load %arg1[%get3A_42, %get3A_43, %get3A_44, %get3A_45] : memref<16x128x4x128xi32, #tpu.memory_space<vmem>>, vector<1x128x4x128xi32>
    %get3A_47 = vector.shape_cast %get3A_46 : vector<1x128x4x128xi32> to vector<128x4x128xi32>
    %slice3A_48 = vector.extract_strided_slice %get3A_47 {offsets = [0, 0, 0], sizes = [128, 1, 64], strides = [1, 1, 1]} : vector<128x4x128xi32> to vector<128x1x64xi32>
    %squeeze3A_49 = vector.shape_cast %slice3A_48 : vector<128x1x64xi32> to vector<128x64xi32>
    %slice3A_50 = vector.extract_strided_slice %get3A_47 {offsets = [0, 1, 0], sizes = [128, 1, 64], strides = [1, 1, 1]} : vector<128x4x128xi32> to vector<128x1x64xi32>
    %squeeze3A_51 = vector.shape_cast %slice3A_50 : vector<128x1x64xi32> to vector<128x64xi32>
    %slice3A_52 = vector.extract_strided_slice %get3A_47 {offsets = [0, 2, 0], sizes = [128, 1, 64], strides = [1, 1, 1]} : vector<128x4x128xi32> to vector<128x1x64xi32>
    %squeeze3A_53 = vector.shape_cast %slice3A_52 : vector<128x1x64xi32> to vector<128x64xi32>
    %slice3A_54 = vector.extract_strided_slice %get3A_47 {offsets = [0, 3, 0], sizes = [128, 1, 64], strides = [1, 1, 1]} : vector<128x4x128xi32> to vector<128x1x64xi32>
    %squeeze3A_55 = vector.shape_cast %slice3A_54 : vector<128x1x64xi32> to vector<128x64xi32>
    %concatenate3A_56 = tpu.concatenate %squeeze3A_49, %squeeze3A_51, %squeeze3A_53, %squeeze3A_55 in 1 : vector<128x64xi32>, vector<128x64xi32>, vector<128x64xi32>, vector<128x64xi32> -> vector<128x256xi32>
    %and3A_57 = arith.constant 1 : i32
    %and3A_58 = vector.broadcast %and3A_57 : i32 to vector<128x256xi32>
    %and3A_59 = arith.andi %concatenate3A_56, %and3A_58 : vector<128x256xi32>
    %eq3A_60 = arith.constant 1 : i32
    %eq3A_61 = vector.broadcast %eq3A_60 : i32 to vector<128x256xi32>
    %eq3A_62 = arith.cmpi eq, %and3A_59, %eq3A_61 : vector<128x256xi32>
    %jit3A_63 = arith.constant 8.125000e-01 : f32
    %jit3A_64 = arith.constant 8.750000e-01 : f32
    %broadcast_in_dim3A_65 = vector.broadcast %jit3A_63 : f32 to vector<128x256xf32>
    %broadcast_in_dim3A_66 = vector.broadcast %jit3A_64 : f32 to vector<128x256xf32>
    %select_n3A_67 = arith.select %eq3A_62, %broadcast_in_dim3A_65, %broadcast_in_dim3A_66 : vector<128x256xi1>, vector<128x256xf32>
    %mul3A_68 = arith.mulf %select_n3A_67, %concatenate3A_5 : vector<128x256xf32>
    %or3A_69 = arith.constant 2 : i32
    %or3A_70 = vector.broadcast %or3A_69 : i32 to vector<128x256xi32>
    %or3A_71 = arith.ori %and3A_59, %or3A_70 : vector<128x256xi32>
    %eq3A_72 = arith.cmpi eq, %concatenate3A, %or3A_71 : vector<128x256xi32>
    %neg3A_73 = arith.constant 0.000000e+00 : f32
    %neg3A_74 = vector.broadcast %neg3A_73 : f32 to vector<128x256xf32>
    %neg3A_75 = arith.subf %neg3A_74, %mul3A_68 : vector<128x256xf32>
    %select_n3A_76 = arith.select %eq3A_72, %mul3A_68, %neg3A_75 : vector<128x256xi1>, vector<128x256xf32>
    %swap3A_77 = arith.constant 0 : index
    %swap3A_78 = arith.constant 256 : index
    %swap3A_79 = vector.load %arg4[%swap3A_77, %swap3A_78] : memref<128x8256xf32, #tpu.memory_space<vmem>>, vector<128x256xf32>
    tpu.vector_store %arg4[%swap3A_77, %swap3A_78], %mul3A_68 {strides = array<i32>} : memref<128x8256xf32, #tpu.memory_space<vmem>>, vector<128x256xf32>,
    %swap3A_80 = arith.constant 0 : index
    %swap3A_81 = arith.constant 4416 : index
    %swap3A_82 = vector.load %arg4[%swap3A_80, %swap3A_81] : memref<128x8256xf32, #tpu.memory_space<vmem>>, vector<128x256xf32>
    tpu.vector_store %arg4[%swap3A_80, %swap3A_81], %select_n3A_76 {strides = array<i32>} : memref<128x8256xf32, #tpu.memory_space<vmem>>, vector<128x256xf32>,
    %get3A_83 = arith.constant 2 : index
    %get3A_84 = arith.constant 0 : index
    %get3A_85 = arith.constant 0 : index
    %get3A_86 = arith.constant 0 : index
    %get3A_87 = vector.load %arg1[%get3A_83, %get3A_84, %get3A_85, %get3A_86] : memref<16x128x4x128xi32, #tpu.memory_space<vmem>>, vector<1x128x4x128xi32>
    %get3A_88 = vector.shape_cast %get3A_87 : vector<1x128x4x128xi32> to vector<128x4x128xi32>
    %slice3A_89 = vector.extract_strided_slice %get3A_88 {offsets = [0, 0, 0], sizes = [128, 1, 64], strides = [1, 1, 1]} : vector<128x4x128xi32> to vector<128x1x64xi32>
    %squeeze3A_90 = vector.shape_cast %slice3A_89 : vector<128x1x64xi32> to vector<128x64xi32>
    %slice3A_91 = vector.extract_strided_slice %get3A_88 {offsets = [0, 1, 0], sizes = [128, 1, 64], strides = [1, 1, 1]} : vector<128x4x128xi32> to vector<128x1x64xi32>
    %squeeze3A_92 = vector.shape_cast %slice3A_91 : vector<128x1x64xi32> to vector<128x64xi32>
    %slice3A_93 = vector.extract_strided_slice %get3A_88 {offsets = [0, 2, 0], sizes = [128, 1, 64], strides = [1, 1, 1]} : vector<128x4x128xi32> to vector<128x1x64xi32>
    %squeeze3A_94 = vector.shape_cast %slice3A_93 : vector<128x1x64xi32> to vector<128x64xi32>
    %slice3A_95 = vector.extract_strided_slice %get3A_88 {offsets = [0, 3, 0], sizes = [128, 1, 64], strides = [1, 1, 1]} : vector<128x4x128xi32> to vector<128x1x64xi32>
    %squeeze3A_96 = vector.shape_cast %slice3A_95 : vector<128x1x64xi32> to vector<128x64xi32>
    %concatenate3A_97 = tpu.concatenate %squeeze3A_90, %squeeze3A_92, %squeeze3A_94, %squeeze3A_96 in 1 : vector<128x64xi32>, vector<128x64xi32>, vector<128x64xi32>, vector<128x64xi32> -> vector<128x256xi32>
    %and3A_98 = arith.constant 3 : i32
    %and3A_99 = vector.broadcast %and3A_98 : i32 to vector<128x256xi32>
    %and3A_100 = arith.andi %concatenate3A_97, %and3A_99 : vector<128x256xi32>
    %eq3A_101 = arith.constant 3 : i32
    %eq3A_102 = vector.broadcast %eq3A_101 : i32 to vector<128x256xi32>
    %eq3A_103 = arith.cmpi eq, %and3A_100, %eq3A_102 : vector<128x256xi32>
    %jit3A_104 = arith.constant 7.500000e-01 : f32
    %jit3A_105 = arith.constant 8.125000e-01 : f32
    %broadcast_in_dim3A_106 = vector.broadcast %jit3A_104 : f32 to vector<128x256xf32>
    %broadcast_in_dim3A_107 = vector.broadcast %jit3A_105 : f32 to vector<128x256xf32>
    %select_n3A_108 = arith.select %eq3A_103, %broadcast_in_dim3A_106, %broadcast_in_dim3A_107 : vector<128x256xi1>, vector<128x256xf32>
    %mul3A_109 = arith.mulf %select_n3A_108, %concatenate3A_5 : vector<128x256xf32>
    %or3A_110 = arith.constant 4 : i32
    %or3A_111 = vector.broadcast %or3A_110 : i32 to vector<128x256xi32>
    %or3A_112 = arith.ori %and3A_100, %or3A_111 : vector<128x256xi32>
    %eq3A_113 = arith.cmpi eq, %concatenate3A, %or3A_112 : vector<128x256xi32>
    %neg3A_114 = arith.constant 0.000000e+00 : f32
    %neg3A_115 = vector.broadcast %neg3A_114 : f32 to vector<128x256xf32>
    %neg3A_116 = arith.subf %neg3A_115, %mul3A_109 : vector<128x256xf32>
    %select_n3A_117 = arith.select %eq3A_113, %mul3A_109, %neg3A_116 : vector<128x256xi1>, vector<128x256xf32>
    %swap3A_118 = arith.constant 0 : index
    %swap3A_119 = arith.constant 512 : index
    %swap3A_120 = vector.load %arg4[%swap3A_118, %swap3A_119] : memref<128x8256xf32, #tpu.memory_space<vmem>>, vector<128x256xf32>
    tpu.vector_store %arg4[%swap3A_118, %swap3A_119], %mul3A_109 {strides = array<i32>} : memref<128x8256xf32, #tpu.memory_space<vmem>>, vector<128x256xf32>,
    %swap3A_121 = arith.constant 0 : index
    %swap3A_122 = arith.constant 4672 : index
    %swap3A_123 = vector.load %arg4[%swap3A_121, %swap3A_122] : memref<128x8256xf32, #tpu.memory_space<vmem>>, vector<128x256xf32>
    tpu.vector_store %arg4[%swap3A_121, %swap3A_122], %select_n3A_117 {strides = array<i32>} : memref<128x8256xf32, #tpu.memory_space<vmem>>, vector<128x256xf32>,
    %get3A_124 = arith.constant 3 : index
    %get3A_125 = arith.constant 0 : index
    %get3A_126 = arith.constant 0 : index
    %get3A_127 = arith.constant 0 : index
    %get3A_128 = vector.load %arg1[%get3A_124, %get3A_125, %get3A_126, %get3A_127] : memref<16x128x4x128xi32, #tpu.memory_space<vmem>>, vector<1x128x4x128xi32>
    %get3A_129 = vector.shape_cast %get3A_128 : vector<1x128x4x128xi32> to vector<128x4x128xi32>
    %slice3A_130 = vector.extract_strided_slice %get3A_129 {offsets = [0, 0, 0], sizes = [128, 1, 64], strides = [1, 1, 1]} : vector<128x4x128xi32> to vector<128x1x64xi32>
    %squeeze3A_131 = vector.shape_cast %slice3A_130 : vector<128x1x64xi32> to vector<128x64xi32>
    %slice3A_132 = vector.extract_strided_slice %get3A_129 {offsets = [0, 1, 0], sizes = [128, 1, 64], strides = [1, 1, 1]} : vector<128x4x128xi32> to vector<128x1x64xi32>
    %squeeze3A_133 = vector.shape_cast %slice3A_132 : vector<128x1x64xi32> to vector<128x64xi32>
    %slice3A_134 = vector.extract_strided_slice %get3A_129 {offsets = [0, 2, 0], sizes = [128, 1, 64], strides = [1, 1, 1]} : vector<128x4x128xi32> to vector<128x1x64xi32>
    %squeeze3A_135 = vector.shape_cast %slice3A_134 : vector<128x1x64xi32> to vector<128x64xi32>
    %slice3A_136 = vector.extract_strided_slice %get3A_129 {offsets = [0, 3, 0], sizes = [128, 1, 64], strides = [1, 1, 1]} : vector<128x4x128xi32> to vector<128x1x64xi32>
    %squeeze3A_137 = vector.shape_cast %slice3A_136 : vector<128x1x64xi32> to vector<128x64xi32>
    %concatenate3A_138 = tpu.concatenate %squeeze3A_131, %squeeze3A_133, %squeeze3A_135, %squeeze3A_137 in 1 : vector<128x64xi32>, vector<128x64xi32>, vector<128x64xi32>, vector<128x64xi32> -> vector<128x256xi32>
    %and3A_139 = arith.constant 7 : i32
    %and3A_140 = vector.broadcast %and3A_139 : i32 to vector<128x256xi32>
    %and3A_141 = arith.andi %concatenate3A_138, %and3A_140 : vector<128x256xi32>
    %eq3A_142 = arith.constant 7 : i32
    %eq3A_143 = vector.broadcast %eq3A_142 : i32 to vector<128x256xi32>
    %eq3A_144 = arith.cmpi eq, %and3A_141, %eq3A_143 : vector<128x256xi32>
    %jit3A_145 = arith.constant 6.875000e-01 : f32
    %jit3A_146 = arith.constant 7.500000e-01 : f32
    %broadcast_in_dim3A_147 = vector.broadcast %jit3A_145 : f32 to vector<128x256xf32>
    %broadcast_in_dim3A_148 = vector.broadcast %jit3A_146 : f32 to vector<128x256xf32>
    %select_n3A_149 = arith.select %eq3A_144, %broadcast_in_dim3A_147, %broadcast_in_dim3A_148 : vector<128x256xi1>, vector<128x256xf32>
    %mul3A_150 = arith.mulf %select_n3A_149, %concatenate3A_5 : vector<128x256xf32>
    %or3A_151 = arith.constant 8 : i32
    %or3A_152 = vector.broadcast %or3A_151 : i32 to vector<128x256xi32>
    %or3A_153 = arith.ori %and3A_141, %or3A_152 : vector<128x256xi32>
    %eq3A_154 = arith.cmpi eq, %concatenate3A, %or3A_153 : vector<128x256xi32>
    %neg3A_155 = arith.constant 0.000000e+00 : f32
    %neg3A_156 = vector.broadcast %neg3A_155 : f32 to vector<128x256xf32>
    %neg3A_157 = arith.subf %neg3A_156, %mul3A_150 : vector<128x256xf32>
    %select_n3A_158 = arith.select %eq3A_154, %mul3A_150, %neg3A_157 : vector<128x256xi1>, vector<128x256xf32>
    %swap3A_159 = arith.constant 0 : index
    %swap3A_160 = arith.constant 768 : index
    %swap3A_161 = vector.load %arg4[%swap3A_159, %swap3A_160] : memref<128x8256xf32, #tpu.memory_space<vmem>>, vector<128x256xf32>
    tpu.vector_store %arg4[%swap3A_159, %swap3A_160], %mul3A_150 {strides = array<i32>} : memref<128x8256xf32, #tpu.memory_space<vmem>>, vector<128x256xf32>,
    %swap3A_162 = arith.constant 0 : index
    %swap3A_163 = arith.constant 4928 : index
    %swap3A_164 = vector.load %arg4[%swap3A_162, %swap3A_163] : memref<128x8256xf32, #tpu.memory_space<vmem>>, vector<128x256xf32>
    tpu.vector_store %arg4[%swap3A_162, %swap3A_163], %select_n3A_158 {strides = array<i32>} : memref<128x8256xf32, #tpu.memory_space<vmem>>, vector<128x256xf32>,
    %get3A_165 = arith.constant 4 : index
    %get3A_166 = arith.constant 0 : index
    %get3A_167 = arith.constant 0 : index
    %get3A_168 = arith.constant 0 : index
    %get3A_169 = vector.load %arg1[%get3A_165, %get3A_166, %get3A_167, %get3A_168] : memref<16x128x4x128xi32, #tpu.memory_space<vmem>>, vector<1x128x4x128xi32>
    %get3A_170 = vector.shape_cast %get3A_169 : vector<1x128x4x128xi32> to vector<128x4x128xi32>
    %slice3A_171 = vector.extract_strided_slice %get3A_170 {offsets = [0, 0, 0], sizes = [128, 1, 64], strides = [1, 1, 1]} : vector<128x4x128xi32> to vector<128x1x64xi32>
    %squeeze3A_172 = vector.shape_cast %slice3A_171 : vector<128x1x64xi32> to vector<128x64xi32>
    %slice3A_173 = vector.extract_strided_slice %get3A_170 {offsets = [0, 1, 0], sizes = [128, 1, 64], strides = [1, 1, 1]} : vector<128x4x128xi32> to vector<128x1x64xi32>
    %squeeze3A_174 = vector.shape_cast %slice3A_173 : vector<128x1x64xi32> to vector<128x64xi32>
    %slice3A_175 = vector.extract_strided_slice %get3A_170 {offsets = [0, 2, 0], sizes = [128, 1, 64], strides = [1, 1, 1]} : vector<128x4x128xi32> to vector<128x1x64xi32>
    %squeeze3A_176 = vector.shape_cast %slice3A_175 : vector<128x1x64xi32> to vector<128x64xi32>
    %slice3A_177 = vector.extract_strided_slice %get3A_170 {offsets = [0, 3, 0], sizes = [128, 1, 64], strides = [1, 1, 1]} : vector<128x4x128xi32> to vector<128x1x64xi32>
    %squeeze3A_178 = vector.shape_cast %slice3A_177 : vector<128x1x64xi32> to vector<128x64xi32>
    %concatenate3A_179 = tpu.concatenate %squeeze3A_172, %squeeze3A_174, %squeeze3A_176, %squeeze3A_178 in 1 : vector<128x64xi32>, vector<128x64xi32>, vector<128x64xi32>, vector<128x64xi32> -> vector<128x256xi32>
    %and3A_180 = arith.constant 15 : i32
    %and3A_181 = vector.broadcast %and3A_180 : i32 to vector<128x256xi32>
    %and3A_182 = arith.andi %concatenate3A_179, %and3A_181 : vector<128x256xi32>
    %eq3A_183 = arith.constant 15 : i32
    %eq3A_184 = vector.broadcast %eq3A_183 : i32 to vector<128x256xi32>
    %eq3A_185 = arith.cmpi eq, %and3A_182, %eq3A_184 : vector<128x256xi32>
    %jit3A_186 = arith.constant 6.250000e-01 : f32
    %jit3A_187 = arith.constant 6.875000e-01 : f32
    %broadcast_in_dim3A_188 = vector.broadcast %jit3A_186 : f32 to vector<128x256xf32>
    %broadcast_in_dim3A_189 = vector.broadcast %jit3A_187 : f32 to vector<128x256xf32>
    %select_n3A_190 = arith.select %eq3A_185, %broadcast_in_dim3A_188, %broadcast_in_dim3A_189 : vector<128x256xi1>, vector<128x256xf32>
    %mul3A_191 = arith.mulf %select_n3A_190, %concatenate3A_5 : vector<128x256xf32>
    %or3A_192 = arith.constant 16 : i32
    %or3A_193 = vector.broadcast %or3A_192 : i32 to vector<128x256xi32>
    %or3A_194 = arith.ori %and3A_182, %or3A_193 : vector<128x256xi32>
    %eq3A_195 = arith.cmpi eq, %concatenate3A, %or3A_194 : vector<128x256xi32>
    %neg3A_196 = arith.constant 0.000000e+00 : f32
    %neg3A_197 = vector.broadcast %neg3A_196 : f32 to vector<128x256xf32>
    %neg3A_198 = arith.subf %neg3A_197, %mul3A_191 : vector<128x256xf32>
    %select_n3A_199 = arith.select %eq3A_195, %mul3A_191, %neg3A_198 : vector<128x256xi1>, vector<128x256xf32>
    %swap3A_200 = arith.constant 0 : index
    %swap3A_201 = arith.constant 1024 : index
    %swap3A_202 = vector.load %arg4[%swap3A_200, %swap3A_201] : memref<128x8256xf32, #tpu.memory_space<vmem>>, vector<128x256xf32>
    tpu.vector_store %arg4[%swap3A_200, %swap3A_201], %mul3A_191 {strides = array<i32>} : memref<128x8256xf32, #tpu.memory_space<vmem>>, vector<128x256xf32>,
    %swap3A_203 = arith.constant 0 : index
    %swap3A_204 = arith.constant 5184 : index
    %swap3A_205 = vector.load %arg4[%swap3A_203, %swap3A_204] : memref<128x8256xf32, #tpu.memory_space<vmem>>, vector<128x256xf32>
    tpu.vector_store %arg4[%swap3A_203, %swap3A_204], %select_n3A_199 {strides = array<i32>} : memref<128x8256xf32, #tpu.memory_space<vmem>>, vector<128x256xf32>,
    %get3A_206 = arith.constant 5 : index
    %get3A_207 = arith.constant 0 : index
    %get3A_208 = arith.constant 0 : index
    %get3A_209 = arith.constant 0 : index
    %get3A_210 = vector.load %arg1[%get3A_206, %get3A_207, %get3A_208, %get3A_209] : memref<16x128x4x128xi32, #tpu.memory_space<vmem>>, vector<1x128x4x128xi32>
    %get3A_211 = vector.shape_cast %get3A_210 : vector<1x128x4x128xi32> to vector<128x4x128xi32>
    %slice3A_212 = vector.extract_strided_slice %get3A_211 {offsets = [0, 0, 0], sizes = [128, 1, 64], strides = [1, 1, 1]} : vector<128x4x128xi32> to vector<128x1x64xi32>
    %squeeze3A_213 = vector.shape_cast %slice3A_212 : vector<128x1x64xi32> to vector<128x64xi32>
    %slice3A_214 = vector.extract_strided_slice %get3A_211 {offsets = [0, 1, 0], sizes = [128, 1, 64], strides = [1, 1, 1]} : vector<128x4x128xi32> to vector<128x1x64xi32>
    %squeeze3A_215 = vector.shape_cast %slice3A_214 : vector<128x1x64xi32> to vector<128x64xi32>
    %slice3A_216 = vector.extract_strided_slice %get3A_211 {offsets = [0, 2, 0], sizes = [128, 1, 64], strides = [1, 1, 1]} : vector<128x4x128xi32> to vector<128x1x64xi32>
    %squeeze3A_217 = vector.shape_cast %slice3A_216 : vector<128x1x64xi32> to vector<128x64xi32>
    %slice3A_218 = vector.extract_strided_slice %get3A_211 {offsets = [0, 3, 0], sizes = [128, 1, 64], strides = [1, 1, 1]} : vector<128x4x128xi32> to vector<128x1x64xi32>
    %squeeze3A_219 = vector.shape_cast %slice3A_218 : vector<128x1x64xi32> to vector<128x64xi32>
    %concatenate3A_220 = tpu.concatenate %squeeze3A_213, %squeeze3A_215, %squeeze3A_217, %squeeze3A_219 in 1 : vector<128x64xi32>, vector<128x64xi32>, vector<128x64xi32>, vector<128x64xi32> -> vector<128x256xi32>
    %and3A_221 = arith.constant 31 : i32
    %and3A_222 = vector.broadcast %and3A_221 : i32 to vector<128x256xi32>
    %and3A_223 = arith.andi %concatenate3A_220, %and3A_222 : vector<128x256xi32>
    %eq3A_224 = arith.constant 31 : i32
    %eq3A_225 = vector.broadcast %eq3A_224 : i32 to vector<128x256xi32>
    %eq3A_226 = arith.cmpi eq, %and3A_223, %eq3A_225 : vector<128x256xi32>
    %jit3A_227 = arith.constant 5.625000e-01 : f32
    %jit3A_228 = arith.constant 6.250000e-01 : f32
    %broadcast_in_dim3A_229 = vector.broadcast %jit3A_227 : f32 to vector<128x256xf32>
    %broadcast_in_dim3A_230 = vector.broadcast %jit3A_228 : f32 to vector<128x256xf32>
    %select_n3A_231 = arith.select %eq3A_226, %broadcast_in_dim3A_229, %broadcast_in_dim3A_230 : vector<128x256xi1>, vector<128x256xf32>
    %mul3A_232 = arith.mulf %select_n3A_231, %concatenate3A_5 : vector<128x256xf32>
    %or3A_233 = arith.constant 32 : i32
    %or3A_234 = vector.broadcast %or3A_233 : i32 to vector<128x256xi32>
    %or3A_235 = arith.ori %and3A_223, %or3A_234 : vector<128x256xi32>
    %eq3A_236 = arith.cmpi eq, %concatenate3A, %or3A_235 : vector<128x256xi32>
    %neg3A_237 = arith.constant 0.000000e+00 : f32
    %neg3A_238 = vector.broadcast %neg3A_237 : f32 to vector<128x256xf32>
    %neg3A_239 = arith.subf %neg3A_238, %mul3A_232 : vector<128x256xf32>
    %select_n3A_240 = arith.select %eq3A_236, %mul3A_232, %neg3A_239 : vector<128x256xi1>, vector<128x256xf32>
    %swap3A_241 = arith.constant 0 : index
    %swap3A_242 = arith.constant 1280 : index
    %swap3A_243 = vector.load %arg4[%swap3A_241, %swap3A_242] : memref<128x8256xf32, #tpu.memory_space<vmem>>, vector<128x256xf32>
    tpu.vector_store %arg4[%swap3A_241, %swap3A_242], %mul3A_232 {strides = array<i32>} : memref<128x8256xf32, #tpu.memory_space<vmem>>, vector<128x256xf32>,
    %swap3A_244 = arith.constant 0 : index
    %swap3A_245 = arith.constant 5440 : index
    %swap3A_246 = vector.load %arg4[%swap3A_244, %swap3A_245] : memref<128x8256xf32, #tpu.memory_space<vmem>>, vector<128x256xf32>
    tpu.vector_store %arg4[%swap3A_244, %swap3A_245], %select_n3A_240 {strides = array<i32>} : memref<128x8256xf32, #tpu.memory_space<vmem>>, vector<128x256xf32>,
    %get3A_247 = arith.constant 6 : index
    %get3A_248 = arith.constant 0 : index
    %get3A_249 = arith.constant 0 : index
    %get3A_250 = arith.constant 0 : index
    %get3A_251 = vector.load %arg1[%get3A_247, %get3A_248, %get3A_249, %get3A_250] : memref<16x128x4x128xi32, #tpu.memory_space<vmem>>, vector<1x128x4x128xi32>
    %get3A_252 = vector.shape_cast %get3A_251 : vector<1x128x4x128xi32> to vector<128x4x128xi32>
    %slice3A_253 = vector.extract_strided_slice %get3A_252 {offsets = [0, 0, 0], sizes = [128, 1, 64], strides = [1, 1, 1]} : vector<128x4x128xi32> to vector<128x1x64xi32>
    %squeeze3A_254 = vector.shape_cast %slice3A_253 : vector<128x1x64xi32> to vector<128x64xi32>
    %slice3A_255 = vector.extract_strided_slice %get3A_252 {offsets = [0, 1, 0], sizes = [128, 1, 64], strides = [1, 1, 1]} : vector<128x4x128xi32> to vector<128x1x64xi32>
    %squeeze3A_256 = vector.shape_cast %slice3A_255 : vector<128x1x64xi32> to vector<128x64xi32>
    %slice3A_257 = vector.extract_strided_slice %get3A_252 {offsets = [0, 2, 0], sizes = [128, 1, 64], strides = [1, 1, 1]} : vector<128x4x128xi32> to vector<128x1x64xi32>
    %squeeze3A_258 = vector.shape_cast %slice3A_257 : vector<128x1x64xi32> to vector<128x64xi32>
    %slice3A_259 = vector.extract_strided_slice %get3A_252 {offsets = [0, 3, 0], sizes = [128, 1, 64], strides = [1, 1, 1]} : vector<128x4x128xi32> to vector<128x1x64xi32>
    %squeeze3A_260 = vector.shape_cast %slice3A_259 : vector<128x1x64xi32> to vector<128x64xi32>
    %concatenate3A_261 = tpu.concatenate %squeeze3A_254, %squeeze3A_256, %squeeze3A_258, %squeeze3A_260 in 1 : vector<128x64xi32>, vector<128x64xi32>, vector<128x64xi32>, vector<128x64xi32> -> vector<128x256xi32>
    %and3A_262 = arith.constant 63 : i32
    %and3A_263 = vector.broadcast %and3A_262 : i32 to vector<128x256xi32>
    %and3A_264 = arith.andi %concatenate3A_261, %and3A_263 : vector<128x256xi32>
    %eq3A_265 = arith.constant 63 : i32
    %eq3A_266 = vector.broadcast %eq3A_265 : i32 to vector<128x256xi32>
    %eq3A_267 = arith.cmpi eq, %and3A_264, %eq3A_266 : vector<128x256xi32>
    %jit3A_268 = arith.constant 5.000000e-01 : f32
    %jit3A_269 = arith.constant 5.625000e-01 : f32
    %broadcast_in_dim3A_270 = vector.broadcast %jit3A_268 : f32 to vector<128x256xf32>
    %broadcast_in_dim3A_271 = vector.broadcast %jit3A_269 : f32 to vector<128x256xf32>
    %select_n3A_272 = arith.select %eq3A_267, %broadcast_in_dim3A_270, %broadcast_in_dim3A_271 : vector<128x256xi1>, vector<128x256xf32>
    %mul3A_273 = arith.mulf %select_n3A_272, %concatenate3A_5 : vector<128x256xf32>
    %or3A_274 = arith.constant 64 : i32
    %or3A_275 = vector.broadcast %or3A_274 : i32 to vector<128x256xi32>
    %or3A_276 = arith.ori %and3A_264, %or3A_275 : vector<128x256xi32>
    %eq3A_277 = arith.cmpi eq, %concatenate3A, %or3A_276 : vector<128x256xi32>
    %neg3A_278 = arith.constant 0.000000e+00 : f32
    %neg3A_279 = vector.broadcast %neg3A_278 : f32 to vector<128x256xf32>
    %neg3A_280 = arith.subf %neg3A_279, %mul3A_273 : vector<128x256xf32>
    %select_n3A_281 = arith.select %eq3A_277, %mul3A_273, %neg3A_280 : vector<128x256xi1>, vector<128x256xf32>
    %swap3A_282 = arith.constant 0 : index
    %swap3A_283 = arith.constant 1536 : index
    %swap3A_284 = vector.load %arg4[%swap3A_282, %swap3A_283] : memref<128x8256xf32, #tpu.memory_space<vmem>>, vector<128x256xf32>
    tpu.vector_store %arg4[%swap3A_282, %swap3A_283], %mul3A_273 {strides = array<i32>} : memref<128x8256xf32, #tpu.memory_space<vmem>>, vector<128x256xf32>,
    %swap3A_285 = arith.constant 0 : index
    %swap3A_286 = arith.constant 5696 : index
    %swap3A_287 = vector.load %arg4[%swap3A_285, %swap3A_286] : memref<128x8256xf32, #tpu.memory_space<vmem>>, vector<128x256xf32>
    tpu.vector_store %arg4[%swap3A_285, %swap3A_286], %select_n3A_281 {strides = array<i32>} : memref<128x8256xf32, #tpu.memory_space<vmem>>, vector<128x256xf32>,
    %get3A_288 = arith.constant 7 : index
    %get3A_289 = arith.constant 0 : index
    %get3A_290 = arith.constant 0 : index
    %get3A_291 = arith.constant 0 : index
    %get3A_292 = vector.load %arg1[%get3A_288, %get3A_289, %get3A_290, %get3A_291] : memref<16x128x4x128xi32, #tpu.memory_space<vmem>>, vector<1x128x4x128xi32>
    %get3A_293 = vector.shape_cast %get3A_292 : vector<1x128x4x128xi32> to vector<128x4x128xi32>
    %slice3A_294 = vector.extract_strided_slice %get3A_293 {offsets = [0, 0, 0], sizes = [128, 1, 64], strides = [1, 1, 1]} : vector<128x4x128xi32> to vector<128x1x64xi32>
    %squeeze3A_295 = vector.shape_cast %slice3A_294 : vector<128x1x64xi32> to vector<128x64xi32>
    %slice3A_296 = vector.extract_strided_slice %get3A_293 {offsets = [0, 1, 0], sizes = [128, 1, 64], strides = [1, 1, 1]} : vector<128x4x128xi32> to vector<128x1x64xi32>
    %squeeze3A_297 = vector.shape_cast %slice3A_296 : vector<128x1x64xi32> to vector<128x64xi32>
    %slice3A_298 = vector.extract_strided_slice %get3A_293 {offsets = [0, 2, 0], sizes = [128, 1, 64], strides = [1, 1, 1]} : vector<128x4x128xi32> to vector<128x1x64xi32>
    %squeeze3A_299 = vector.shape_cast %slice3A_298 : vector<128x1x64xi32> to vector<128x64xi32>
    %slice3A_300 = vector.extract_strided_slice %get3A_293 {offsets = [0, 3, 0], sizes = [128, 1, 64], strides = [1, 1, 1]} : vector<128x4x128xi32> to vector<128x1x64xi32>
    %squeeze3A_301 = vector.shape_cast %slice3A_300 : vector<128x1x64xi32> to vector<128x64xi32>
    %concatenate3A_302 = tpu.concatenate %squeeze3A_295, %squeeze3A_297, %squeeze3A_299, %squeeze3A_301 in 1 : vector<128x64xi32>, vector<128x64xi32>, vector<128x64xi32>, vector<128x64xi32> -> vector<128x256xi32>
    %and3A_303 = arith.constant 127 : i32
    %and3A_304 = vector.broadcast %and3A_303 : i32 to vector<128x256xi32>
    %and3A_305 = arith.andi %concatenate3A_302, %and3A_304 : vector<128x256xi32>
    %eq3A_306 = arith.constant 127 : i32
    %eq3A_307 = vector.broadcast %eq3A_306 : i32 to vector<128x256xi32>
    %eq3A_308 = arith.cmpi eq, %and3A_305, %eq3A_307 : vector<128x256xi32>
    %jit3A_309 = arith.constant 4.375000e-01 : f32
    %jit3A_310 = arith.constant 5.000000e-01 : f32
    %broadcast_in_dim3A_311 = vector.broadcast %jit3A_309 : f32 to vector<128x256xf32>
    %broadcast_in_dim3A_312 = vector.broadcast %jit3A_310 : f32 to vector<128x256xf32>
    %select_n3A_313 = arith.select %eq3A_308, %broadcast_in_dim3A_311, %broadcast_in_dim3A_312 : vector<128x256xi1>, vector<128x256xf32>
    %mul3A_314 = arith.mulf %select_n3A_313, %concatenate3A_5 : vector<128x256xf32>
    %or3A_315 = arith.constant 128 : i32
    %or3A_316 = vector.broadcast %or3A_315 : i32 to vector<128x256xi32>
    %or3A_317 = arith.ori %and3A_305, %or3A_316 : vector<128x256xi32>
    %eq3A_318 = arith.cmpi eq, %concatenate3A, %or3A_317 : vector<128x256xi32>
    %neg3A_319 = arith.constant 0.000000e+00 : f32
    %neg3A_320 = vector.broadcast %neg3A_319 : f32 to vector<128x256xf32>
    %neg3A_321 = arith.subf %neg3A_320, %mul3A_314 : vector<128x256xf32>
    %select_n3A_322 = arith.select %eq3A_318, %mul3A_314, %neg3A_321 : vector<128x256xi1>, vector<128x256xf32>
    %swap3A_323 = arith.constant 0 : index
    %swap3A_324 = arith.constant 1792 : index
    %swap3A_325 = vector.load %arg4[%swap3A_323, %swap3A_324] : memref<128x8256xf32, #tpu.memory_space<vmem>>, vector<128x256xf32>
    tpu.vector_store %arg4[%swap3A_323, %swap3A_324], %mul3A_314 {strides = array<i32>} : memref<128x8256xf32, #tpu.memory_space<vmem>>, vector<128x256xf32>,
    %swap3A_326 = arith.constant 0 : index
    %swap3A_327 = arith.constant 5952 : index
    %swap3A_328 = vector.load %arg4[%swap3A_326, %swap3A_327] : memref<128x8256xf32, #tpu.memory_space<vmem>>, vector<128x256xf32>
    tpu.vector_store %arg4[%swap3A_326, %swap3A_327], %select_n3A_322 {strides = array<i32>} : memref<128x8256xf32, #tpu.memory_space<vmem>>, vector<128x256xf32>,
    %get3A_329 = arith.constant 8 : index
    %get3A_330 = arith.constant 0 : index
    %get3A_331 = arith.constant 0 : index
    %get3A_332 = arith.constant 0 : index
    %get3A_333 = vector.load %arg1[%get3A_329, %get3A_330, %get3A_331, %get3A_332] : memref<16x128x4x128xi32, #tpu.memory_space<vmem>>, vector<1x128x4x128xi32>
    %get3A_334 = vector.shape_cast %get3A_333 : vector<1x128x4x128xi32> to vector<128x4x128xi32>
    %slice3A_335 = vector.extract_strided_slice %get3A_334 {offsets = [0, 0, 0], sizes = [128, 1, 64], strides = [1, 1, 1]} : vector<128x4x128xi32> to vector<128x1x64xi32>
    %squeeze3A_336 = vector.shape_cast %slice3A_335 : vector<128x1x64xi32> to vector<128x64xi32>
    %slice3A_337 = vector.extract_strided_slice %get3A_334 {offsets = [0, 1, 0], sizes = [128, 1, 64], strides = [1, 1, 1]} : vector<128x4x128xi32> to vector<128x1x64xi32>
    %squeeze3A_338 = vector.shape_cast %slice3A_337 : vector<128x1x64xi32> to vector<128x64xi32>
    %slice3A_339 = vector.extract_strided_slice %get3A_334 {offsets = [0, 2, 0], sizes = [128, 1, 64], strides = [1, 1, 1]} : vector<128x4x128xi32> to vector<128x1x64xi32>
    %squeeze3A_340 = vector.shape_cast %slice3A_339 : vector<128x1x64xi32> to vector<128x64xi32>
    %slice3A_341 = vector.extract_strided_slice %get3A_334 {offsets = [0, 3, 0], sizes = [128, 1, 64], strides = [1, 1, 1]} : vector<128x4x128xi32> to vector<128x1x64xi32>
    %squeeze3A_342 = vector.shape_cast %slice3A_341 : vector<128x1x64xi32> to vector<128x64xi32>
    %concatenate3A_343 = tpu.concatenate %squeeze3A_336, %squeeze3A_338, %squeeze3A_340, %squeeze3A_342 in 1 : vector<128x64xi32>, vector<128x64xi32>, vector<128x64xi32>, vector<128x64xi32> -> vector<128x256xi32>
    %and3A_344 = arith.constant 255 : i32
    %and3A_345 = vector.broadcast %and3A_344 : i32 to vector<128x256xi32>
    %and3A_346 = arith.andi %concatenate3A_343, %and3A_345 : vector<128x256xi32>
    %eq3A_347 = arith.constant 255 : i32
    %eq3A_348 = vector.broadcast %eq3A_347 : i32 to vector<128x256xi32>
    %eq3A_349 = arith.cmpi eq, %and3A_346, %eq3A_348 : vector<128x256xi32>
    %jit3A_350 = arith.constant 3.750000e-01 : f32
    %jit3A_351 = arith.constant 4.375000e-01 : f32
    %broadcast_in_dim3A_352 = vector.broadcast %jit3A_350 : f32 to vector<128x256xf32>
    %broadcast_in_dim3A_353 = vector.broadcast %jit3A_351 : f32 to vector<128x256xf32>
    %select_n3A_354 = arith.select %eq3A_349, %broadcast_in_dim3A_352, %broadcast_in_dim3A_353 : vector<128x256xi1>, vector<128x256xf32>
    %mul3A_355 = arith.mulf %select_n3A_354, %concatenate3A_5 : vector<128x256xf32>
    %or3A_356 = arith.constant 256 : i32
    %or3A_357 = vector.broadcast %or3A_356 : i32 to vector<128x256xi32>
    %or3A_358 = arith.ori %and3A_346, %or3A_357 : vector<128x256xi32>
    %eq3A_359 = arith.cmpi eq, %concatenate3A, %or3A_358 : vector<128x256xi32>
    %neg3A_360 = arith.constant 0.000000e+00 : f32
    %neg3A_361 = vector.broadcast %neg3A_360 : f32 to vector<128x256xf32>
    %neg3A_362 = arith.subf %neg3A_361, %mul3A_355 : vector<128x256xf32>
    %select_n3A_363 = arith.select %eq3A_359, %mul3A_355, %neg3A_362 : vector<128x256xi1>, vector<128x256xf32>
    %swap3A_364 = arith.constant 0 : index
    %swap3A_365 = arith.constant 2048 : index
    %swap3A_366 = vector.load %arg4[%swap3A_364, %swap3A_365] : memref<128x8256xf32, #tpu.memory_space<vmem>>, vector<128x256xf32>
    tpu.vector_store %arg4[%swap3A_364, %swap3A_365], %mul3A_355 {strides = array<i32>} : memref<128x8256xf32, #tpu.memory_space<vmem>>, vector<128x256xf32>,
    %swap3A_367 = arith.constant 0 : index
    %swap3A_368 = arith.constant 6208 : index
    %swap3A_369 = vector.load %arg4[%swap3A_367, %swap3A_368] : memref<128x8256xf32, #tpu.memory_space<vmem>>, vector<128x256xf32>
    tpu.vector_store %arg4[%swap3A_367, %swap3A_368], %select_n3A_363 {strides = array<i32>} : memref<128x8256xf32, #tpu.memory_space<vmem>>, vector<128x256xf32>,
    %get3A_370 = arith.constant 9 : index
    %get3A_371 = arith.constant 0 : index
    %get3A_372 = arith.constant 0 : index
    %get3A_373 = arith.constant 0 : index
    %get3A_374 = vector.load %arg1[%get3A_370, %get3A_371, %get3A_372, %get3A_373] : memref<16x128x4x128xi32, #tpu.memory_space<vmem>>, vector<1x128x4x128xi32>
    %get3A_375 = vector.shape_cast %get3A_374 : vector<1x128x4x128xi32> to vector<128x4x128xi32>
    %slice3A_376 = vector.extract_strided_slice %get3A_375 {offsets = [0, 0, 0], sizes = [128, 1, 64], strides = [1, 1, 1]} : vector<128x4x128xi32> to vector<128x1x64xi32>
    %squeeze3A_377 = vector.shape_cast %slice3A_376 : vector<128x1x64xi32> to vector<128x64xi32>
    %slice3A_378 = vector.extract_strided_slice %get3A_375 {offsets = [0, 1, 0], sizes = [128, 1, 64], strides = [1, 1, 1]} : vector<128x4x128xi32> to vector<128x1x64xi32>
    %squeeze3A_379 = vector.shape_cast %slice3A_378 : vector<128x1x64xi32> to vector<128x64xi32>
    %slice3A_380 = vector.extract_strided_slice %get3A_375 {offsets = [0, 2, 0], sizes = [128, 1, 64], strides = [1, 1, 1]} : vector<128x4x128xi32> to vector<128x1x64xi32>
    %squeeze3A_381 = vector.shape_cast %slice3A_380 : vector<128x1x64xi32> to vector<128x64xi32>
    %slice3A_382 = vector.extract_strided_slice %get3A_375 {offsets = [0, 3, 0], sizes = [128, 1, 64], strides = [1, 1, 1]} : vector<128x4x128xi32> to vector<128x1x64xi32>
    %squeeze3A_383 = vector.shape_cast %slice3A_382 : vector<128x1x64xi32> to vector<128x64xi32>
    %concatenate3A_384 = tpu.concatenate %squeeze3A_377, %squeeze3A_379, %squeeze3A_381, %squeeze3A_383 in 1 : vector<128x64xi32>, vector<128x64xi32>, vector<128x64xi32>, vector<128x64xi32> -> vector<128x256xi32>
    %and3A_385 = arith.constant 511 : i32
    %and3A_386 = vector.broadcast %and3A_385 : i32 to vector<128x256xi32>
    %and3A_387 = arith.andi %concatenate3A_384, %and3A_386 : vector<128x256xi32>
    %eq3A_388 = arith.constant 511 : i32
    %eq3A_389 = vector.broadcast %eq3A_388 : i32 to vector<128x256xi32>
    %eq3A_390 = arith.cmpi eq, %and3A_387, %eq3A_389 : vector<128x256xi32>
    %jit3A_391 = arith.constant 3.125000e-01 : f32
    %jit3A_392 = arith.constant 3.750000e-01 : f32
    %broadcast_in_dim3A_393 = vector.broadcast %jit3A_391 : f32 to vector<128x256xf32>
    %broadcast_in_dim3A_394 = vector.broadcast %jit3A_392 : f32 to vector<128x256xf32>
    %select_n3A_395 = arith.select %eq3A_390, %broadcast_in_dim3A_393, %broadcast_in_dim3A_394 : vector<128x256xi1>, vector<128x256xf32>
    %mul3A_396 = arith.mulf %select_n3A_395, %concatenate3A_5 : vector<128x256xf32>
    %or3A_397 = arith.constant 512 : i32
    %or3A_398 = vector.broadcast %or3A_397 : i32 to vector<128x256xi32>
    %or3A_399 = arith.ori %and3A_387, %or3A_398 : vector<128x256xi32>
    %eq3A_400 = arith.cmpi eq, %concatenate3A, %or3A_399 : vector<128x256xi32>
    %neg3A_401 = arith.constant 0.000000e+00 : f32
    %neg3A_402 = vector.broadcast %neg3A_401 : f32 to vector<128x256xf32>
    %neg3A_403 = arith.subf %neg3A_402, %mul3A_396 : vector<128x256xf32>
    %select_n3A_404 = arith.select %eq3A_400, %mul3A_396, %neg3A_403 : vector<128x256xi1>, vector<128x256xf32>
    %swap3A_405 = arith.constant 0 : index
    %swap3A_406 = arith.constant 2304 : index
    %swap3A_407 = vector.load %arg4[%swap3A_405, %swap3A_406] : memref<128x8256xf32, #tpu.memory_space<vmem>>, vector<128x256xf32>
    tpu.vector_store %arg4[%swap3A_405, %swap3A_406], %mul3A_396 {strides = array<i32>} : memref<128x8256xf32, #tpu.memory_space<vmem>>, vector<128x256xf32>,
    %swap3A_408 = arith.constant 0 : index
    %swap3A_409 = arith.constant 6464 : index
    %swap3A_410 = vector.load %arg4[%swap3A_408, %swap3A_409] : memref<128x8256xf32, #tpu.memory_space<vmem>>, vector<128x256xf32>
    tpu.vector_store %arg4[%swap3A_408, %swap3A_409], %select_n3A_404 {strides = array<i32>} : memref<128x8256xf32, #tpu.memory_space<vmem>>, vector<128x256xf32>,
    %get3A_411 = arith.constant 10 : index
    %get3A_412 = arith.constant 0 : index
    %get3A_413 = arith.constant 0 : index
    %get3A_414 = arith.constant 0 : index
    %get3A_415 = vector.load %arg1[%get3A_411, %get3A_412, %get3A_413, %get3A_414] : memref<16x128x4x128xi32, #tpu.memory_space<vmem>>, vector<1x128x4x128xi32>
    %get3A_416 = vector.shape_cast %get3A_415 : vector<1x128x4x128xi32> to vector<128x4x128xi32>
    %slice3A_417 = vector.extract_strided_slice %get3A_416 {offsets = [0, 0, 0], sizes = [128, 1, 64], strides = [1, 1, 1]} : vector<128x4x128xi32> to vector<128x1x64xi32>
    %squeeze3A_418 = vector.shape_cast %slice3A_417 : vector<128x1x64xi32> to vector<128x64xi32>
    %slice3A_419 = vector.extract_strided_slice %get3A_416 {offsets = [0, 1, 0], sizes = [128, 1, 64], strides = [1, 1, 1]} : vector<128x4x128xi32> to vector<128x1x64xi32>
    %squeeze3A_420 = vector.shape_cast %slice3A_419 : vector<128x1x64xi32> to vector<128x64xi32>
    %slice3A_421 = vector.extract_strided_slice %get3A_416 {offsets = [0, 2, 0], sizes = [128, 1, 64], strides = [1, 1, 1]} : vector<128x4x128xi32> to vector<128x1x64xi32>
    %squeeze3A_422 = vector.shape_cast %slice3A_421 : vector<128x1x64xi32> to vector<128x64xi32>
    %slice3A_423 = vector.extract_strided_slice %get3A_416 {offsets = [0, 3, 0], sizes = [128, 1, 64], strides = [1, 1, 1]} : vector<128x4x128xi32> to vector<128x1x64xi32>
    %squeeze3A_424 = vector.shape_cast %slice3A_423 : vector<128x1x64xi32> to vector<128x64xi32>
    %concatenate3A_425 = tpu.concatenate %squeeze3A_418, %squeeze3A_420, %squeeze3A_422, %squeeze3A_424 in 1 : vector<128x64xi32>, vector<128x64xi32>, vector<128x64xi32>, vector<128x64xi32> -> vector<128x256xi32>
    %and3A_426 = arith.constant 1023 : i32
    %and3A_427 = vector.broadcast %and3A_426 : i32 to vector<128x256xi32>
    %and3A_428 = arith.andi %concatenate3A_425, %and3A_427 : vector<128x256xi32>
    %eq3A_429 = arith.constant 1023 : i32
    %eq3A_430 = vector.broadcast %eq3A_429 : i32 to vector<128x256xi32>
    %eq3A_431 = arith.cmpi eq, %and3A_428, %eq3A_430 : vector<128x256xi32>
    %jit3A_432 = arith.constant 2.500000e-01 : f32
    %jit3A_433 = arith.constant 3.125000e-01 : f32
    %broadcast_in_dim3A_434 = vector.broadcast %jit3A_432 : f32 to vector<128x256xf32>
    %broadcast_in_dim3A_435 = vector.broadcast %jit3A_433 : f32 to vector<128x256xf32>
    %select_n3A_436 = arith.select %eq3A_431, %broadcast_in_dim3A_434, %broadcast_in_dim3A_435 : vector<128x256xi1>, vector<128x256xf32>
    %mul3A_437 = arith.mulf %select_n3A_436, %concatenate3A_5 : vector<128x256xf32>
    %or3A_438 = arith.constant 1024 : i32
    %or3A_439 = vector.broadcast %or3A_438 : i32 to vector<128x256xi32>
    %or3A_440 = arith.ori %and3A_428, %or3A_439 : vector<128x256xi32>
    %eq3A_441 = arith.cmpi eq, %concatenate3A, %or3A_440 : vector<128x256xi32>
    %neg3A_442 = arith.constant 0.000000e+00 : f32
    %neg3A_443 = vector.broadcast %neg3A_442 : f32 to vector<128x256xf32>
    %neg3A_444 = arith.subf %neg3A_443, %mul3A_437 : vector<128x256xf32>
    %select_n3A_445 = arith.select %eq3A_441, %mul3A_437, %neg3A_444 : vector<128x256xi1>, vector<128x256xf32>
    %swap3A_446 = arith.constant 0 : index
    %swap3A_447 = arith.constant 2560 : index
    %swap3A_448 = vector.load %arg4[%swap3A_446, %swap3A_447] : memref<128x8256xf32, #tpu.memory_space<vmem>>, vector<128x256xf32>
    tpu.vector_store %arg4[%swap3A_446, %swap3A_447], %mul3A_437 {strides = array<i32>} : memref<128x8256xf32, #tpu.memory_space<vmem>>, vector<128x256xf32>,
    %swap3A_449 = arith.constant 0 : index
    %swap3A_450 = arith.constant 6720 : index
    %swap3A_451 = vector.load %arg4[%swap3A_449, %swap3A_450] : memref<128x8256xf32, #tpu.memory_space<vmem>>, vector<128x256xf32>
    tpu.vector_store %arg4[%swap3A_449, %swap3A_450], %select_n3A_445 {strides = array<i32>} : memref<128x8256xf32, #tpu.memory_space<vmem>>, vector<128x256xf32>,
    %get3A_452 = arith.constant 11 : index
    %get3A_453 = arith.constant 0 : index
    %get3A_454 = arith.constant 0 : index
    %get3A_455 = arith.constant 0 : index
    %get3A_456 = vector.load %arg1[%get3A_452, %get3A_453, %get3A_454, %get3A_455] : memref<16x128x4x128xi32, #tpu.memory_space<vmem>>, vector<1x128x4x128xi32>
    %get3A_457 = vector.shape_cast %get3A_456 : vector<1x128x4x128xi32> to vector<128x4x128xi32>
    %slice3A_458 = vector.extract_strided_slice %get3A_457 {offsets = [0, 0, 0], sizes = [128, 1, 64], strides = [1, 1, 1]} : vector<128x4x128xi32> to vector<128x1x64xi32>
    %squeeze3A_459 = vector.shape_cast %slice3A_458 : vector<128x1x64xi32> to vector<128x64xi32>
    %slice3A_460 = vector.extract_strided_slice %get3A_457 {offsets = [0, 1, 0], sizes = [128, 1, 64], strides = [1, 1, 1]} : vector<128x4x128xi32> to vector<128x1x64xi32>
    %squeeze3A_461 = vector.shape_cast %slice3A_460 : vector<128x1x64xi32> to vector<128x64xi32>
    %slice3A_462 = vector.extract_strided_slice %get3A_457 {offsets = [0, 2, 0], sizes = [128, 1, 64], strides = [1, 1, 1]} : vector<128x4x128xi32> to vector<128x1x64xi32>
    %squeeze3A_463 = vector.shape_cast %slice3A_462 : vector<128x1x64xi32> to vector<128x64xi32>
    %slice3A_464 = vector.extract_strided_slice %get3A_457 {offsets = [0, 3, 0], sizes = [128, 1, 64], strides = [1, 1, 1]} : vector<128x4x128xi32> to vector<128x1x64xi32>
    %squeeze3A_465 = vector.shape_cast %slice3A_464 : vector<128x1x64xi32> to vector<128x64xi32>
    %concatenate3A_466 = tpu.concatenate %squeeze3A_459, %squeeze3A_461, %squeeze3A_463, %squeeze3A_465 in 1 : vector<128x64xi32>, vector<128x64xi32>, vector<128x64xi32>, vector<128x64xi32> -> vector<128x256xi32>
    %and3A_467 = arith.constant 2047 : i32
    %and3A_468 = vector.broadcast %and3A_467 : i32 to vector<128x256xi32>
    %and3A_469 = arith.andi %concatenate3A_466, %and3A_468 : vector<128x256xi32>
    %eq3A_470 = arith.constant 2047 : i32
    %eq3A_471 = vector.broadcast %eq3A_470 : i32 to vector<128x256xi32>
    %eq3A_472 = arith.cmpi eq, %and3A_469, %eq3A_471 : vector<128x256xi32>
    %jit3A_473 = arith.constant 1.875000e-01 : f32
    %jit3A_474 = arith.constant 2.500000e-01 : f32
    %broadcast_in_dim3A_475 = vector.broadcast %jit3A_473 : f32 to vector<128x256xf32>
    %broadcast_in_dim3A_476 = vector.broadcast %jit3A_474 : f32 to vector<128x256xf32>
    %select_n3A_477 = arith.select %eq3A_472, %broadcast_in_dim3A_475, %broadcast_in_dim3A_476 : vector<128x256xi1>, vector<128x256xf32>
    %mul3A_478 = arith.mulf %select_n3A_477, %concatenate3A_5 : vector<128x256xf32>
    %or3A_479 = arith.constant 2048 : i32
    %or3A_480 = vector.broadcast %or3A_479 : i32 to vector<128x256xi32>
    %or3A_481 = arith.ori %and3A_469, %or3A_480 : vector<128x256xi32>
    %eq3A_482 = arith.cmpi eq, %concatenate3A, %or3A_481 : vector<128x256xi32>
    %neg3A_483 = arith.constant 0.000000e+00 : f32
    %neg3A_484 = vector.broadcast %neg3A_483 : f32 to vector<128x256xf32>
    %neg3A_485 = arith.subf %neg3A_484, %mul3A_478 : vector<128x256xf32>
    %select_n3A_486 = arith.select %eq3A_482, %mul3A_478, %neg3A_485 : vector<128x256xi1>, vector<128x256xf32>
    %swap3A_487 = arith.constant 0 : index
    %swap3A_488 = arith.constant 2816 : index
    %swap3A_489 = vector.load %arg4[%swap3A_487, %swap3A_488] : memref<128x8256xf32, #tpu.memory_space<vmem>>, vector<128x256xf32>
    tpu.vector_store %arg4[%swap3A_487, %swap3A_488], %mul3A_478 {strides = array<i32>} : memref<128x8256xf32, #tpu.memory_space<vmem>>, vector<128x256xf32>,
    %swap3A_490 = arith.constant 0 : index
    %swap3A_491 = arith.constant 6976 : index
    %swap3A_492 = vector.load %arg4[%swap3A_490, %swap3A_491] : memref<128x8256xf32, #tpu.memory_space<vmem>>, vector<128x256xf32>
    tpu.vector_store %arg4[%swap3A_490, %swap3A_491], %select_n3A_486 {strides = array<i32>} : memref<128x8256xf32, #tpu.memory_space<vmem>>, vector<128x256xf32>,
    %get3A_493 = arith.constant 12 : index
    %get3A_494 = arith.constant 0 : index
    %get3A_495 = arith.constant 0 : index
    %get3A_496 = arith.constant 0 : index
    %get3A_497 = vector.load %arg1[%get3A_493, %get3A_494, %get3A_495, %get3A_496] : memref<16x128x4x128xi32, #tpu.memory_space<vmem>>, vector<1x128x4x128xi32>
    %get3A_498 = vector.shape_cast %get3A_497 : vector<1x128x4x128xi32> to vector<128x4x128xi32>
    %slice3A_499 = vector.extract_strided_slice %get3A_498 {offsets = [0, 0, 0], sizes = [128, 1, 64], strides = [1, 1, 1]} : vector<128x4x128xi32> to vector<128x1x64xi32>
    %squeeze3A_500 = vector.shape_cast %slice3A_499 : vector<128x1x64xi32> to vector<128x64xi32>
    %slice3A_501 = vector.extract_strided_slice %get3A_498 {offsets = [0, 1, 0], sizes = [128, 1, 64], strides = [1, 1, 1]} : vector<128x4x128xi32> to vector<128x1x64xi32>
    %squeeze3A_502 = vector.shape_cast %slice3A_501 : vector<128x1x64xi32> to vector<128x64xi32>
    %slice3A_503 = vector.extract_strided_slice %get3A_498 {offsets = [0, 2, 0], sizes = [128, 1, 64], strides = [1, 1, 1]} : vector<128x4x128xi32> to vector<128x1x64xi32>
    %squeeze3A_504 = vector.shape_cast %slice3A_503 : vector<128x1x64xi32> to vector<128x64xi32>
    %slice3A_505 = vector.extract_strided_slice %get3A_498 {offsets = [0, 3, 0], sizes = [128, 1, 64], strides = [1, 1, 1]} : vector<128x4x128xi32> to vector<128x1x64xi32>
    %squeeze3A_506 = vector.shape_cast %slice3A_505 : vector<128x1x64xi32> to vector<128x64xi32>
    %concatenate3A_507 = tpu.concatenate %squeeze3A_500, %squeeze3A_502, %squeeze3A_504, %squeeze3A_506 in 1 : vector<128x64xi32>, vector<128x64xi32>, vector<128x64xi32>, vector<128x64xi32> -> vector<128x256xi32>
    %and3A_508 = arith.constant 4095 : i32
    %and3A_509 = vector.broadcast %and3A_508 : i32 to vector<128x256xi32>
    %and3A_510 = arith.andi %concatenate3A_507, %and3A_509 : vector<128x256xi32>
    %eq3A_511 = arith.constant 4095 : i32
    %eq3A_512 = vector.broadcast %eq3A_511 : i32 to vector<128x256xi32>
    %eq3A_513 = arith.cmpi eq, %and3A_510, %eq3A_512 : vector<128x256xi32>
    %jit3A_514 = arith.constant 1.250000e-01 : f32
    %jit3A_515 = arith.constant 1.875000e-01 : f32
    %broadcast_in_dim3A_516 = vector.broadcast %jit3A_514 : f32 to vector<128x256xf32>
    %broadcast_in_dim3A_517 = vector.broadcast %jit3A_515 : f32 to vector<128x256xf32>
    %select_n3A_518 = arith.select %eq3A_513, %broadcast_in_dim3A_516, %broadcast_in_dim3A_517 : vector<128x256xi1>, vector<128x256xf32>
    %mul3A_519 = arith.mulf %select_n3A_518, %concatenate3A_5 : vector<128x256xf32>
    %or3A_520 = arith.constant 4096 : i32
    %or3A_521 = vector.broadcast %or3A_520 : i32 to vector<128x256xi32>
    %or3A_522 = arith.ori %and3A_510, %or3A_521 : vector<128x256xi32>
    %eq3A_523 = arith.cmpi eq, %concatenate3A, %or3A_522 : vector<128x256xi32>
    %neg3A_524 = arith.constant 0.000000e+00 : f32
    %neg3A_525 = vector.broadcast %neg3A_524 : f32 to vector<128x256xf32>
    %neg3A_526 = arith.subf %neg3A_525, %mul3A_519 : vector<128x256xf32>
    %select_n3A_527 = arith.select %eq3A_523, %mul3A_519, %neg3A_526 : vector<128x256xi1>, vector<128x256xf32>
    %swap3A_528 = arith.constant 0 : index
    %swap3A_529 = arith.constant 3072 : index
    %swap3A_530 = vector.load %arg4[%swap3A_528, %swap3A_529] : memref<128x8256xf32, #tpu.memory_space<vmem>>, vector<128x256xf32>
    tpu.vector_store %arg4[%swap3A_528, %swap3A_529], %mul3A_519 {strides = array<i32>} : memref<128x8256xf32, #tpu.memory_space<vmem>>, vector<128x256xf32>,
    %swap3A_531 = arith.constant 0 : index
    %swap3A_532 = arith.constant 7232 : index
    %swap3A_533 = vector.load %arg4[%swap3A_531, %swap3A_532] : memref<128x8256xf32, #tpu.memory_space<vmem>>, vector<128x256xf32>
    tpu.vector_store %arg4[%swap3A_531, %swap3A_532], %select_n3A_527 {strides = array<i32>} : memref<128x8256xf32, #tpu.memory_space<vmem>>, vector<128x256xf32>,
    %get3A_534 = arith.constant 13 : index
    %get3A_535 = arith.constant 0 : index
    %get3A_536 = arith.constant 0 : index
    %get3A_537 = arith.constant 0 : index
    %get3A_538 = vector.load %arg1[%get3A_534, %get3A_535, %get3A_536, %get3A_537] : memref<16x128x4x128xi32, #tpu.memory_space<vmem>>, vector<1x128x4x128xi32>
    %get3A_539 = vector.shape_cast %get3A_538 : vector<1x128x4x128xi32> to vector<128x4x128xi32>
    %slice3A_540 = vector.extract_strided_slice %get3A_539 {offsets = [0, 0, 0], sizes = [128, 1, 64], strides = [1, 1, 1]} : vector<128x4x128xi32> to vector<128x1x64xi32>
    %squeeze3A_541 = vector.shape_cast %slice3A_540 : vector<128x1x64xi32> to vector<128x64xi32>
    %slice3A_542 = vector.extract_strided_slice %get3A_539 {offsets = [0, 1, 0], sizes = [128, 1, 64], strides = [1, 1, 1]} : vector<128x4x128xi32> to vector<128x1x64xi32>
    %squeeze3A_543 = vector.shape_cast %slice3A_542 : vector<128x1x64xi32> to vector<128x64xi32>
    %slice3A_544 = vector.extract_strided_slice %get3A_539 {offsets = [0, 2, 0], sizes = [128, 1, 64], strides = [1, 1, 1]} : vector<128x4x128xi32> to vector<128x1x64xi32>
    %squeeze3A_545 = vector.shape_cast %slice3A_544 : vector<128x1x64xi32> to vector<128x64xi32>
    %slice3A_546 = vector.extract_strided_slice %get3A_539 {offsets = [0, 3, 0], sizes = [128, 1, 64], strides = [1, 1, 1]} : vector<128x4x128xi32> to vector<128x1x64xi32>
    %squeeze3A_547 = vector.shape_cast %slice3A_546 : vector<128x1x64xi32> to vector<128x64xi32>
    %concatenate3A_548 = tpu.concatenate %squeeze3A_541, %squeeze3A_543, %squeeze3A_545, %squeeze3A_547 in 1 : vector<128x64xi32>, vector<128x64xi32>, vector<128x64xi32>, vector<128x64xi32> -> vector<128x256xi32>
    %and3A_549 = arith.constant 8191 : i32
    %and3A_550 = vector.broadcast %and3A_549 : i32 to vector<128x256xi32>
    %and3A_551 = arith.andi %concatenate3A_548, %and3A_550 : vector<128x256xi32>
    %eq3A_552 = arith.constant 8191 : i32
    %eq3A_553 = vector.broadcast %eq3A_552 : i32 to vector<128x256xi32>
    %eq3A_554 = arith.cmpi eq, %and3A_551, %eq3A_553 : vector<128x256xi32>
    %jit3A_555 = arith.constant 6.250000e-02 : f32
    %jit3A_556 = arith.constant 1.250000e-01 : f32
    %broadcast_in_dim3A_557 = vector.broadcast %jit3A_555 : f32 to vector<128x256xf32>
    %broadcast_in_dim3A_558 = vector.broadcast %jit3A_556 : f32 to vector<128x256xf32>
    %select_n3A_559 = arith.select %eq3A_554, %broadcast_in_dim3A_557, %broadcast_in_dim3A_558 : vector<128x256xi1>, vector<128x256xf32>
    %mul3A_560 = arith.mulf %select_n3A_559, %concatenate3A_5 : vector<128x256xf32>
    %or3A_561 = arith.constant 8192 : i32
    %or3A_562 = vector.broadcast %or3A_561 : i32 to vector<128x256xi32>
    %or3A_563 = arith.ori %and3A_551, %or3A_562 : vector<128x256xi32>
    %eq3A_564 = arith.cmpi eq, %concatenate3A, %or3A_563 : vector<128x256xi32>
    %neg3A_565 = arith.constant 0.000000e+00 : f32
    %neg3A_566 = vector.broadcast %neg3A_565 : f32 to vector<128x256xf32>
    %neg3A_567 = arith.subf %neg3A_566, %mul3A_560 : vector<128x256xf32>
    %select_n3A_568 = arith.select %eq3A_564, %mul3A_560, %neg3A_567 : vector<128x256xi1>, vector<128x256xf32>
    %swap3A_569 = arith.constant 0 : index
    %swap3A_570 = arith.constant 3328 : index
    %swap3A_571 = vector.load %arg4[%swap3A_569, %swap3A_570] : memref<128x8256xf32, #tpu.memory_space<vmem>>, vector<128x256xf32>
    tpu.vector_store %arg4[%swap3A_569, %swap3A_570], %mul3A_560 {strides = array<i32>} : memref<128x8256xf32, #tpu.memory_space<vmem>>, vector<128x256xf32>,
    %swap3A_572 = arith.constant 0 : index
    %swap3A_573 = arith.constant 7488 : index
    %swap3A_574 = vector.load %arg4[%swap3A_572, %swap3A_573] : memref<128x8256xf32, #tpu.memory_space<vmem>>, vector<128x256xf32>
    tpu.vector_store %arg4[%swap3A_572, %swap3A_573], %select_n3A_568 {strides = array<i32>} : memref<128x8256xf32, #tpu.memory_space<vmem>>, vector<128x256xf32>,
    %get3A_575 = arith.constant 14 : index
    %get3A_576 = arith.constant 0 : index
    %get3A_577 = arith.constant 0 : index
    %get3A_578 = arith.constant 0 : index
    %get3A_579 = vector.load %arg1[%get3A_575, %get3A_576, %get3A_577, %get3A_578] : memref<16x128x4x128xi32, #tpu.memory_space<vmem>>, vector<1x128x4x128xi32>
    %get3A_580 = vector.shape_cast %get3A_579 : vector<1x128x4x128xi32> to vector<128x4x128xi32>
    %slice3A_581 = vector.extract_strided_slice %get3A_580 {offsets = [0, 0, 0], sizes = [128, 1, 64], strides = [1, 1, 1]} : vector<128x4x128xi32> to vector<128x1x64xi32>
    %squeeze3A_582 = vector.shape_cast %slice3A_581 : vector<128x1x64xi32> to vector<128x64xi32>
    %slice3A_583 = vector.extract_strided_slice %get3A_580 {offsets = [0, 1, 0], sizes = [128, 1, 64], strides = [1, 1, 1]} : vector<128x4x128xi32> to vector<128x1x64xi32>
    %squeeze3A_584 = vector.shape_cast %slice3A_583 : vector<128x1x64xi32> to vector<128x64xi32>
    %slice3A_585 = vector.extract_strided_slice %get3A_580 {offsets = [0, 2, 0], sizes = [128, 1, 64], strides = [1, 1, 1]} : vector<128x4x128xi32> to vector<128x1x64xi32>
    %squeeze3A_586 = vector.shape_cast %slice3A_585 : vector<128x1x64xi32> to vector<128x64xi32>
    %slice3A_587 = vector.extract_strided_slice %get3A_580 {offsets = [0, 3, 0], sizes = [128, 1, 64], strides = [1, 1, 1]} : vector<128x4x128xi32> to vector<128x1x64xi32>
    %squeeze3A_588 = vector.shape_cast %slice3A_587 : vector<128x1x64xi32> to vector<128x64xi32>
    %concatenate3A_589 = tpu.concatenate %squeeze3A_582, %squeeze3A_584, %squeeze3A_586, %squeeze3A_588 in 1 : vector<128x64xi32>, vector<128x64xi32>, vector<128x64xi32>, vector<128x64xi32> -> vector<128x256xi32>
    %and3A_590 = arith.constant 16383 : i32
    %and3A_591 = vector.broadcast %and3A_590 : i32 to vector<128x256xi32>
    %and3A_592 = arith.andi %concatenate3A_589, %and3A_591 : vector<128x256xi32>
    %eq3A_593 = arith.constant 16383 : i32
    %eq3A_594 = vector.broadcast %eq3A_593 : i32 to vector<128x256xi32>
    %eq3A_595 = arith.cmpi eq, %and3A_592, %eq3A_594 : vector<128x256xi32>
    %jit3A_596 = arith.constant 0.000000e+00 : f32
    %jit3A_597 = arith.constant 6.250000e-02 : f32
    %broadcast_in_dim3A_598 = vector.broadcast %jit3A_596 : f32 to vector<128x256xf32>
    %broadcast_in_dim3A_599 = vector.broadcast %jit3A_597 : f32 to vector<128x256xf32>
    %select_n3A_600 = arith.select %eq3A_595, %broadcast_in_dim3A_598, %broadcast_in_dim3A_599 : vector<128x256xi1>, vector<128x256xf32>
    %mul3A_601 = arith.mulf %select_n3A_600, %concatenate3A_5 : vector<128x256xf32>
    %or3A_602 = arith.constant 16384 : i32
    %or3A_603 = vector.broadcast %or3A_602 : i32 to vector<128x256xi32>
    %or3A_604 = arith.ori %and3A_592, %or3A_603 : vector<128x256xi32>
    %eq3A_605 = arith.cmpi eq, %concatenate3A, %or3A_604 : vector<128x256xi32>
    %neg3A_606 = arith.constant 0.000000e+00 : f32
    %neg3A_607 = vector.broadcast %neg3A_606 : f32 to vector<128x256xf32>
    %neg3A_608 = arith.subf %neg3A_607, %mul3A_601 : vector<128x256xf32>
    %select_n3A_609 = arith.select %eq3A_605, %mul3A_601, %neg3A_608 : vector<128x256xi1>, vector<128x256xf32>
    %swap3A_610 = arith.constant 0 : index
    %swap3A_611 = arith.constant 3584 : index
    %swap3A_612 = vector.load %arg4[%swap3A_610, %swap3A_611] : memref<128x8256xf32, #tpu.memory_space<vmem>>, vector<128x256xf32>
    tpu.vector_store %arg4[%swap3A_610, %swap3A_611], %mul3A_601 {strides = array<i32>} : memref<128x8256xf32, #tpu.memory_space<vmem>>, vector<128x256xf32>,
    %swap3A_613 = arith.constant 0 : index
    %swap3A_614 = arith.constant 7744 : index
    %swap3A_615 = vector.load %arg4[%swap3A_613, %swap3A_614] : memref<128x8256xf32, #tpu.memory_space<vmem>>, vector<128x256xf32>
    tpu.vector_store %arg4[%swap3A_613, %swap3A_614], %select_n3A_609 {strides = array<i32>} : memref<128x8256xf32, #tpu.memory_space<vmem>>, vector<128x256xf32>,
    %get3A_616 = arith.constant 15 : index
    %get3A_617 = arith.constant 0 : index
    %get3A_618 = arith.constant 0 : index
    %get3A_619 = arith.constant 0 : index
    %get3A_620 = vector.load %arg1[%get3A_616, %get3A_617, %get3A_618, %get3A_619] : memref<16x128x4x128xi32, #tpu.memory_space<vmem>>, vector<1x128x4x128xi32>
    %get3A_621 = vector.shape_cast %get3A_620 : vector<1x128x4x128xi32> to vector<128x4x128xi32>
    %slice3A_622 = vector.extract_strided_slice %get3A_621 {offsets = [0, 0, 0], sizes = [128, 1, 64], strides = [1, 1, 1]} : vector<128x4x128xi32> to vector<128x1x64xi32>
    %squeeze3A_623 = vector.shape_cast %slice3A_622 : vector<128x1x64xi32> to vector<128x64xi32>
    %slice3A_624 = vector.extract_strided_slice %get3A_621 {offsets = [0, 1, 0], sizes = [128, 1, 64], strides = [1, 1, 1]} : vector<128x4x128xi32> to vector<128x1x64xi32>
    %squeeze3A_625 = vector.shape_cast %slice3A_624 : vector<128x1x64xi32> to vector<128x64xi32>
    %slice3A_626 = vector.extract_strided_slice %get3A_621 {offsets = [0, 2, 0], sizes = [128, 1, 64], strides = [1, 1, 1]} : vector<128x4x128xi32> to vector<128x1x64xi32>
    %squeeze3A_627 = vector.shape_cast %slice3A_626 : vector<128x1x64xi32> to vector<128x64xi32>
    %slice3A_628 = vector.extract_strided_slice %get3A_621 {offsets = [0, 3, 0], sizes = [128, 1, 64], strides = [1, 1, 1]} : vector<128x4x128xi32> to vector<128x1x64xi32>
    %squeeze3A_629 = vector.shape_cast %slice3A_628 : vector<128x1x64xi32> to vector<128x64xi32>
    %concatenate3A_630 = tpu.concatenate %squeeze3A_623, %squeeze3A_625, %squeeze3A_627, %squeeze3A_629 in 1 : vector<128x64xi32>, vector<128x64xi32>, vector<128x64xi32>, vector<128x64xi32> -> vector<128x256xi32>
    %and3A_631 = arith.constant 32767 : i32
    %and3A_632 = vector.broadcast %and3A_631 : i32 to vector<128x256xi32>
    %and3A_633 = arith.andi %concatenate3A_630, %and3A_632 : vector<128x256xi32>
    %eq3A_634 = arith.constant 32767 : i32
    %eq3A_635 = vector.broadcast %eq3A_634 : i32 to vector<128x256xi32>
    %eq3A_636 = arith.cmpi eq, %and3A_633, %eq3A_635 : vector<128x256xi32>
    %jit3A_637 = arith.constant -6.250000e-02 : f32
    %jit3A_638 = arith.constant 0.000000e+00 : f32
    %broadcast_in_dim3A_639 = vector.broadcast %jit3A_637 : f32 to vector<128x256xf32>
    %broadcast_in_dim3A_640 = vector.broadcast %jit3A_638 : f32 to vector<128x256xf32>
    %select_n3A_641 = arith.select %eq3A_636, %broadcast_in_dim3A_639, %broadcast_in_dim3A_640 : vector<128x256xi1>, vector<128x256xf32>
    %mul3A_642 = arith.mulf %select_n3A_641, %concatenate3A_5 : vector<128x256xf32>
    %or3A_643 = arith.constant 32768 : i32
    %or3A_644 = vector.broadcast %or3A_643 : i32 to vector<128x256xi32>
    %or3A_645 = arith.ori %and3A_633, %or3A_644 : vector<128x256xi32>
    %eq3A_646 = arith.cmpi eq, %concatenate3A, %or3A_645 : vector<128x256xi32>
    %neg3A_647 = arith.constant 0.000000e+00 : f32
    %neg3A_648 = vector.broadcast %neg3A_647 : f32 to vector<128x256xf32>
    %neg3A_649 = arith.subf %neg3A_648, %mul3A_642 : vector<128x256xf32>
    %select_n3A_650 = arith.select %eq3A_646, %mul3A_642, %neg3A_649 : vector<128x256xi1>, vector<128x256xf32>
    %swap3A_651 = arith.constant 0 : index
    %swap3A_652 = arith.constant 3840 : index
    %swap3A_653 = vector.load %arg4[%swap3A_651, %swap3A_652] : memref<128x8256xf32, #tpu.memory_space<vmem>>, vector<128x256xf32>
    tpu.vector_store %arg4[%swap3A_651, %swap3A_652], %mul3A_642 {strides = array<i32>} : memref<128x8256xf32, #tpu.memory_space<vmem>>, vector<128x256xf32>,
    %swap3A_654 = arith.constant 0 : index
    %swap3A_655 = arith.constant 8000 : index
    %swap3A_656 = vector.load %arg4[%swap3A_654, %swap3A_655] : memref<128x8256xf32, #tpu.memory_space<vmem>>, vector<128x256xf32>
    tpu.vector_store %arg4[%swap3A_654, %swap3A_655], %select_n3A_650 {strides = array<i32>} : memref<128x8256xf32, #tpu.memory_space<vmem>>, vector<128x256xf32>,
    return
  }
  func.func @transform_0(%arg0: i32) -> (i32, i32, i32, i32) {
    %c0_i32 = arith.constant 0 : i32
    %c0_i32_0 = arith.constant 0 : i32
    %c0_i32_1 = arith.constant 0 : i32
    %c0_i32_2 = arith.constant 0 : i32
    return %c0_i32, %arg0, %c0_i32_0, %c0_i32_1 : i32, i32, i32, i32
  }
  func.func @transform_1(%arg0: i32) -> (i32, i32) {
    %c0_i32 = arith.constant 0 : i32
    %c0_i32_0 = arith.constant 0 : i32
    return %arg0, %c0_i32 : i32, i32
  }
  func.func @transform_2(%arg0: i32) -> (i32, i32) {
    %c0_i32 = arith.constant 0 : i32
    %c0_i32_0 = arith.constant 0 : i32
    return %arg0, %c0_i32 : i32, i32
  }
  func.func @transform_3(%arg0: i32) -> (i32, i32) {
    %c0_i32 = arith.constant 0 : i32
    %c0_i32_0 = arith.constant 0 : i32
    return %arg0, %c0_i32 : i32, i32
  }
}

</mosaic_0001>

<sc_bundles>
// kernel: sparse-core-data-format-call.1.cloned.1.call-start
scs
called_computation.1_lowered:
.L_overlay_start_0:
0x0: {  	s2 =	sld [smem:$0x3FD9]  }
0x1: {  	s3 =	sld [smem:$0x3FFE];
	_ =	sdelay $0x1  }
0x2: {  	s1 =	srdreg.scid  }
0x3: {  	s0 =	sand.u32 $0x1, s1  }
0x4: {  	s18 =	sshll.u32 s0, $0xA;
	s2 =	sadd.s32 s3, s2  }
0x5: {  	s2 =	sadd.s32 s2, s18  }
0x6: {  	[smem:$0x3FC5] =	sst s2  }
0x7: {  	_ = 	snop  }
0x8: {  	s2 =	sld [smem:$0x3FD0];
	(tm) =	ssettm $0x1  }
0x9: {  	s19 =	sld [smem:$0x3FFB];
	_ =	sdelay $0x3  }
0xa: {  	_ =	strace s19  }
0xb: {  	s3 =	sld [smem:$0x3FFC];
	_ =	sdelay $0x3  }
0xc: {  	_ =	strace s3  }
0xd: {  	s3 =	sld [smem:$0x3FFD];
	_ =	sdelay $0x3  }
0xe: {  	_ =	strace s3  }
0xf: {  	_ =	strace $0x8FFFFFFF  }
0x10: {  	s20 =	sld [smem:$0x3FDB];
	_ =	sdelay $0x1  }
0x11: {  	s4 =	simm.s32 $_scs_section_size  }
0x12: {  	s5 =	simm.s32 $_size__tile_overlayer_lowered;
	s6 =	simm.s32 $_tile_overlayer_lowered  }
0x13: {  	s23 =	simm.s32 $0x1BFF;
	s22 =	sshll.u32 s6, $0x1;
	s3 =	sadd.s32 s4, s20  }
0x14: {  	s7 =	simm.s32 $0x0;
	s21 =	sshll.u32 s5, $0x1;
	s5 =	sadd.s32 s22, s3  }
0x15: {  	[timem:s7], [sflag:s23] =	dma.local [hbm:s5], s21  }
0x16: {  	_ =	swait.ge [sflag:s23], s21  }
0x17: {  	s4 =	ssub.s32 $0x0, s21;
	[sflag:s23] =	ssyncset.done $0x0  }
0x18: {  	[sflag:s23] =	ssyncadd.s32 s4;
	_ =	sdelay $0x1  }
0x19: {  	s24 =	simm.s32 $0x1B8B  }
0x1a: {  	_ =	swait.ge [sflag:s24], $0x1  }
0x1b: {  	[sflag:s24] =	ssyncset.done $0x0  }
0x1c: {  	s26 =	simm.s32 $0x1B8E;
	s25 =	sld [smem:$0x3FFE];
	[sflag:s24] =	ssyncadd.s32 $0xFFFFFFFF  }
0x1d: {  	s27 =	simm.s32 $execute0_lowered;
	[smem:$0x3FD2] =	sst s26  }
0x1e: {  	s5 =	sshll.u32 s27, $0x1;
	_ =	strace $0x80000046;
	[dreg:$0x1] =	wrdreg $0xFFFFFFFF  }
0x1f: {  	s28 =	simm.s32 $_size_execute0_lowered;
	s3 =	sadd.s32 s3, s5;
	[dreg:$0x0] =	wrdreg $0x0  }
0x20: {  	s5 =	sshll.u32 s28, $0x1;
	[dreg:$0x2] =	wrdreg s3  }
0x21: {  	[dreg:$0x3] =	wrdreg s5  }
0x22: {  	[dreg:$0x4] =	wrdreg $0xC0  }
0x23: {  	_ =	task [dreg:s7], $0x5FFFF  }
0x24: {  	[dreg:$0x1] =	wrdreg $0xFFFFFFFF  }
0x25: {  	[dreg:$0x0] =	wrdreg $0x60  }
0x26: {  	[dreg:$0x2] =	wrdreg s2  }
0x27: {  	[dreg:$0x3] =	wrdreg s25  }
0x28: {  	[dreg:$0x4] =	wrdreg $0xA  }
0x29: {  	_ =	task.clear_ibuf [dreg:s7], $0x5FFFF;
	_ =	strace $0x90000046  }
0x2a: {  	s29 =	simm.s32 $0xA;
	_ =	strace $0x80000048  }
0x2b: {  	_ =	swait.ge [sflag:s29], $0x1  }
0x2c: {  	[sflag:s29] =	ssyncadd.s32 $0xFFFFFFFF  }
0x2d: {  	_ =	strace $0x90000048  }
0x2e: {  	_ =	sfence  }
0x2f: {  	s30 =	sld [smem:$0x0];
	_ =	sdelay $0x2  }
0x30: {  	s31 =	sshll.u32 s1, $0xD;
	s1 =	sshrl.u32 s1, $0x2  }
0x31: {  	s3 =	sand.u32 $0x4000, s31;
	s1 =	sadd.s32 s1, s30  }
0x32: {  	s0 =	sor.u32 s3, s0;
	s1 =	sshll.u32 s1, $0x11  }
0x33: {  	s0 =	sor.u32 s1, s0  }
0x34: {  	s0 =	sadd.s32 $0x8F2B, s0  }
0x35: {  	[sflag:s0] =	ssyncadd.remote.s32 $0x1  }
0x36: {  	_ =	sfence.sel $0xFFFF  }
0x37: {  	[dreg:$0x0] =	wrdreg $0xFFFFFFFF;
	(pc) =	sbr.abs _section_cstart, $3  }
0x38: {  	[dreg:$0x1] =	wrdreg $0xFFFFFFFF  }
0x39: {  	_ =	task.clear_ibuf [dreg:s7], $0x2FFFF;
	_ =	strace $0x9FFFFFFF  }
0x3a: {  	(tm) =	ssettm $0x7FFFFFFF  }
0x3b: {  	_ =	shalt  }
tec
execute0_lowered:
.L_overlay_start_1:
0x0: {  	(tag) =	ssettag $0x1  }
0x1: {  	s2 =	rddreg [dreg:$0x0]  }
0x2: {  	s1 =	rddreg [dreg:$0x1]  }
0x3: {  	s0 =	rddreg [dreg:$0x2];
	s4 =	srdreg.scid  }
0x4: {  	_ =	strace $0x80000047;
	s7 =	simm.s32 $0x2;
	s13 =	simm.s32 $0x0  }
0x5: {  	p0 =	por $0x0, $0x0;
	s15 =	simm.s32 $0x0;
	s14 =	simm.s32 $0x0  }
0x6: {  	s16 =	simm.s32 $0x0;
	s9 =	simm.s32 $0x0;
	s11 =	simm.s32 $0x0  }
.Ltmp0:
0x7: {  	s3 =	sadd.s32 $0xC00, s1;
	s4 =	sshll.u32 s4, $0x4;
	(pc) =	sbr.rel .LBB1_1-.Ltmp0, $4  }
0x8: {  	s1 =	stileid.u32;
	s5 =	sand.u32 $0x10, s4;
	s4 =	simm.s32 $0x1  }
0x9: {  	s8 =	simm.s32 $0x0;
	s6 =	sor.u32 s1, s5;
	[sflag:s4] =	ssyncpa.u1 $0x0  }
0xa: {  	s5 =	sand.u32 $0x3, s1;
	s6 =	sshrl.u32 s6, $0x2;
	[sflag:s7] =	ssyncpa.u1 $0x0  }
0xb: {  	s7 =	simm.s32 $0x200;
	s12 =	smov.u32 s5;
	s10 =	smov.u32 s6  }
.LBB1_5:
0xc: {  	s17 =	sadd.s32 $0x80, s9  }
0xd: {  	s13 =	sadd.s32 $0x8, s10;
	s18 =	smov.u32 s10;
	p2 =	sgt.s32 s17, $0x7FF  }
0xe: {  	s18 =	smov.u32 @p2 s13  }
0xf: {  	s19 =	smov.u32 s11;
	s13 =	sadd.s32 $0x80, s11;
	p3 =	sgt.s32 s18, $0xF  }
0x10: {  	s19 =	smov.u32 @p3 s13  }
0x11: {  	s20 =	smov.u32 s12;
	s13 =	sadd.s32 $0x4, s12;
	p4 =	sgt.s32 s19, $0x7F  }
0x12: {  	p1 =	slt.u32 s8, $0x2;
	s20 =	smov.u32 @p4 s13  }
0x13: {  	s8 =	sadd.s32 $0x1, s8;
	s17 =	simm.s32 @p2 $0x0;
	p2 =	sgt.s32 s20, $0x3  }
0x14: {  	s21 =	simm.s32 @!p1 $0x2;
	s20 =	smov.u32 @p2 s5;
	p2 =	sne.s32 s8, $0x22  }
.Ltmp1:
0x15: {  	s15 =	smov.u32 s10;
	_ =	swait.ge @!p1 [sflag:s21], $0x4000;
	(pc) =	sbr.rel @!p2 .LBB1_6-.Ltmp1, $4  }
0x16: {  	s14 =	smov.u32 s11;
	s16 =	smov.u32 s12;
	[sflag:s21] =	ssyncset.done @!p1 $0x0  }
0x17: {  	p0 =	por !p0, !p0;
	s18 =	smov.u32 @p3 s6;
	[sflag:s21] =	ssyncadd.s32 @!p1 $0xFFFFC000  }
0x18: {  	s10 =	smov.u32 s18;
	s19 =	simm.s32 @p4 $0x0;
	s13 =	smov.u32 s9  }
0x19: {  	s9 =	smov.u32 s17;
	s11 =	smov.u32 s19;
	s12 =	smov.u32 s20  }
.LBB1_1:
0x1a: {  	p1 =	sgt.u32 s8, $0x1F  }
0x1b: {  	s17 =	sxor.u32 @!p1 $0xFFFFFFFF, s8;
	s18 =	sand.u32 @!p1 $0x78, s9  }
0x1c: {  	s19 =	sshll.u32 @!p1 s10, $0x7;
	s20 =	sshll.u32 @!p1 s10, $0xB;
	s21 =	sshll.u32 @!p1 s9, $0x3  }
0x1d: {  	s17 =	sshll.u32 @!p1 s17, $0xE;
	s19 =	sand.u32 @!p1 $0x380, s19;
	s20 =	sand.u32 @!p1 $0x4000, s20  }
0x1e: {  	s17 =	sand.u32 @!p1 $0x4000, s17;
	s18 =	sor.u32 @!p1 s19, s18;
	s19 =	sand.u32 @!p1 $0x400, s21  }
0x1f: {  	s20 =	sadd.s32 @!p1 s20, s21;
	s18 =	sor.u32 @!p1 s19, s18;
	s19 =	sshll.u32 @!p1 s12, $0x13  }
0x20: {  	s21 =	sshll.u32 @!p1 s11, $0xC;
	s20 =	sshrl.u32 @!p1 s20, $0x3;
	s19 =	sadd.s32 @!p1 s2, s19  }
0x21: {  	s20 =	sand.u32 @!p1 $0xF00, s20;
	s19 =	sadd.s32 @!p1 s21, s19;
	s21 =	sand.u32 @!p1 $0x7, s9  }
0x22: {  	s18 =	sshrl.u32 @!p1 s18, $0x3;
	s19 =	sadd.s32 @!p1 s20, s19;
	s20 =	sshll.u32 @!p1 s21, $0x12  }
0x23: {  	s18 =	sadd.s32 @!p1 s18, s19;
	s19 =	sor.u32 @!p1 $0x80, s20;
	s20 =	simm.s32 @!p1 $0x8000  }
0x24: {  	[tilespmem:s17], [sflag:$0x1] =	stream.strided.gather @!p1 [hbm4b:s18+s19], $0x4000, s20, s19, $0x38;
	[tilespmem:$0x10100] =	vst v63  }
0x25: {  	p1 =	seq.s32 s8, $0x0  }
0x26: {  	p2 =	seq.s32 @!p1 s8, $0x21  }
0x27: {  	p1 =	por p1, p2  }
.Ltmp2:
0x28: {  	_ = 	snop;
	(pc) =	sbr.rel @p1 .LBB1_5-.Ltmp2, $1  }
0x29: {  	_ =	sdelay $0x3  }
0x2a: {  	s17 =	simm.s32 $0x1  }
0x2b: {  	_ =	swait.ge [sflag:s4], $0x4000;
	s17 =	simm.s32 @!p0 $0x0  }
0x2c: {  	[sflag:s4] =	ssyncset.done $0x0;
	s18 =	sshll.u32 s17, $0xE  }
0x2d: {  	[sflag:s4] =	ssyncadd.s32 $0xFFFFC000;
	s20 =	sor.u32 $0x40, s18  }
0x2e: {  	s17 =	smul.u32 $0x10200, s17;
	v0 =	vld [tilespmem:s20+$0x30]  }
0x2f: {  	v3 =	vld [tilespmem:s20+$0xFFFFFFD0]  }
0x30: {  	s17 =	sshrl.u32 s17, $0x2;
	v4 =	vld [tilespmem:s20+$0xFFFFFFE0]  }
0x31: {  	v5 =	vld [tilespmem:s20+$0xFFFFFFF0];
	s18 =	sor.u32 $0x8000, s17  }
0x32: {  	s31 =	sand.u32 $0x1, s8;
	v1 =	vld [tilespmem:s20+$0x0];
	s19 =	sadd.s32 $0x0, s18  }
0x33: {  	v2 =	vld [tilespmem:s20+$0x10];
	s17 =	smul.u32 $0x10200, s31;
	[tilespmem:s19+$0x3870 ss:$0x81] =	vst.msk $0xffff, v0  }
0x34: {  	[tilespmem:s19+$0x810 ss:$0x81] =	vst.msk $0xffff, v3;
	v3 =	vld [tilespmem:s20+$0x20]  }
0x35: {  	s17 =	sshrl.u32 s17, $0x2;
	v0 =	vld [tilespmem:s20+$0xFFFFFFC0];
	[tilespmem:s19+$0x1020 ss:$0x81] =	vst.msk $0xffff, v4;
	s20 =	sadd.s32 $0x80, s20  }
0x36: {  	s21 =	simm.s32 $0x4;
	s22 =	simm.s32 $0x8;
	s17 =	sor.u32 $0x8000, s17;
	[tilespmem:s19+$0x1830 ss:$0x81] =	vst.msk $0xffff, v5;
	v4 =	vld [tilespmem:s20+$0x30]  }
.LBB1_3:
0x37: {  	p1 =	sne.s32 s22, $0x1FC;
	v5 =	vld [tilespmem:s20+$0xFFFFFFD0];
	[tilespmem:s19+$0x2040 ss:$0x81] =	vst.msk $0xffff, v1  }
0x38: {  	v6 =	vld [tilespmem:s20+$0xFFFFFFE0];
	[tilespmem:s19+$0x2850 ss:$0x81] =	vst.msk $0xffff, v2  }
0x39: {  	s23 =	sshra.s32 s21, $0x2;
	s21 =	smov.u32 s22;
	v7 =	vld [tilespmem:s20+$0xFFFFFFF0];
	[tilespmem:s19+$0x3060 ss:$0x81] =	vst.msk $0xffff, v3  }
.Ltmp3:
0x3a: {  	v1 =	vld [tilespmem:s20+$0x0];
	[tilespmem:s19+$0x0 ss:$0x81] =	vst.msk $0xffff, v0;
	s19 =	sadd.s32 s23, s18;
	(pc) =	sbr.rel @p1 .LBB1_3-.Ltmp3, $4  }
0x3b: {  	v2 =	vld [tilespmem:s20+$0x10];
	[tilespmem:s19+$0x3870 ss:$0x81] =	vst.msk $0xffff, v4  }
0x3c: {  	[tilespmem:s19+$0x810 ss:$0x81] =	vst.msk $0xffff, v5;
	v3 =	vld [tilespmem:s20+$0x20]  }
0x3d: {  	v0 =	vld [tilespmem:s20+$0xFFFFFFC0];
	[tilespmem:s19+$0x1020 ss:$0x81] =	vst.msk $0xffff, v6;
	s20 =	sadd.s32 $0x80, s20  }
0x3e: {  	s22 =	sadd.s32 $0x4, s22;
	v4 =	vld [tilespmem:s20+$0x30];
	[tilespmem:s19+$0x1830 ss:$0x81] =	vst.msk $0xffff, v7  }
0x3f: {  	v5 =	vld [tilespmem:s20+$0xFFFFFFD0];
	[tilespmem:s19+$0x2040 ss:$0x81] =	vst.msk $0xffff, v1  }
0x40: {  	v58 =	vld [tilespmem:s20+$0xFFFFFFE0];
	[tilespmem:s19+$0x2850 ss:$0x81] =	vst.msk $0xffff, v2  }
0x41: {  	s21 =	sshra.s32 s21, $0x2;
	v59 =	vld [tilespmem:s20+$0xFFFFFFF0];
	[tilespmem:s19+$0x3060 ss:$0x81] =	vst.msk $0xffff, v3  }
0x42: {  	v60 =	vld [tilespmem:s20+$0x0];
	s18 =	sadd.s32 s21, s18;
	[tilespmem:s19+$0x0 ss:$0x81] =	vst.msk $0xffff, v0  }
0x43: {  	v61 =	vld [tilespmem:s20+$0x10];
	[tilespmem:s18+$0x3870 ss:$0x81] =	vst.msk $0xffff, v4  }
0x44: {  	v62 =	vld [tilespmem:s20+$0x20];
	[tilespmem:s18+$0x810 ss:$0x81] =	vst.msk $0xffff, v5  }
0x45: {  	v63 =	vld [tilespmem:s20+$0xFFFFFFC0];
	s16 =	sshll.u32 s16, $0x4;
	[tilespmem:s18+$0x1020 ss:$0x81] =	vst.msk $0xffff, v58  }
0x46: {  	s15 =	sshll.u32 s15, $0x11;
	s16 =	sand.u32 $0x30, s16;
	[tilespmem:s18+$0x1830 ss:$0x81] =	vst.msk $0xffff, v59  }
.Ltmp4:
0x47: {  	s30 =	sshrl.u32 s14, $0x3;
	s16 =	sadd.s32 s3, s16;
	[tilespmem:s18+$0x2040 ss:$0x81] =	vst.msk $0xffff, v60;
	(pc) =	sbr.rel .LBB1_5-.Ltmp4, $4  }
0x48: {  	s31 =	sand.u32 $0x7, s14;
	s19 =	sand.u32 $0xF, s30;
	s15 =	sadd.s32 s15, s16;
	[tilespmem:s18+$0x2850 ss:$0x81] =	vst.msk $0xffff, v61  }
0x49: {  	s13 =	sshll.u32 s13, $0x6;
	s14 =	sshll.u32 s31, $0x12;
	s15 =	sadd.s32 s19, s15;
	[tilespmem:s18+$0x3060 ss:$0x81] =	vst.msk $0xffff, v62  }
0x4a: {  	s14 =	sor.u32 $0x80, s14;
	[tilespmem:s18+$0x0 ss:$0x81] =	vst.msk $0xffff, v63;
	s13 =	sadd.s32 s13, s15  }
0x4b: {  	[hbm4b:s13+s14] =	stream.strided.scatter [tilespmem:s17], [sflag:$0x2], $0x4000, s7, s14, $0x20;
	[tilespmem:$0x10100] =	vst v63  }
.LBB1_6:
0x4c: {  	_ =	sfence.sel $0x180000  }
0x4d: {  	s2 =	simm.s32 $0x1;
	[bflag:$0x0] =	sbarrier.arrive $0xFFFF  }
0x4e: {  	s31 =	simm.s32 $0x2;
	[sflag:s2] =	ssyncpa.u1 $0x1  }
0x4f: {  	[sflag:s31] =	ssyncpa.u1 $0x1  }
0x50: {  	p0 =	sne.s32 s1, $0x0;
	_ =	strace $0x90000047  }
0x51: {  	s0 =	sadd.s32 @!p0 $0x100000, s0;
	[bflag:$0x2] =	sbarrier.arrive $0xFFFF  }
0x52: {  	[sflag:s0] =	ssyncadd.tile.s32 @!p0 $0x1;
	_ =	shalt  }
.Lfunc_end1:
_tile_overlayer_lowered:
.L_overlay_start_2:
0x53: {  	(tag) =	ssettag $0x2  }
0x54: {  	s0 =	rddreg [dreg:$0x0];
	s2 =	stileid.u32  }
0x55: {  	s1 =	rddreg [dreg:$0x1];
	p0 =	sne.s32 s2, $0x0  }
0x56: {  	s3 =	rddreg [dreg:$0x2];
	[bflag:$0x3] =	sbarrier.arrive $0xFFFF;
	s2 =	simm.s32 @!p0 $0x1C01  }
0x57: {  	[timem:s3], [sflag:s2] =	dma.local @!p0 [hbm:s0], s1  }
0x58: {  	s0 =	simm.s32 @!p0 $0x1  }
0x59: {  	_ =	swait.ge @!p0 [sflag:s0], s1  }
0x5a: {  	s1 =	ssub.s32 @!p0 $0x0, s1;
	[sflag:s0] =	ssyncset.done @!p0 $0x0  }
0x5b: {  	[sflag:s0] =	ssyncadd.s32 @!p0 s1  }
0x5c: {  	[bflag:$0x3] =	sbarrier.arrive $0xFFFF  }
0x5d: {  	_ =	shalt  }

// kernel: sparse-core-data-format-call.cloned.1.call-start
scs
called_computation_lowered:
.L_overlay_start_0:
0x0: {  	s2 =	sld [smem:$0x3FD9]  }
0x1: {  	s3 =	sld [smem:$0x3FFE];
	_ =	sdelay $0x1  }
0x2: {  	s1 =	srdreg.scid  }
0x3: {  	s0 =	sand.u32 $0x1, s1  }
0x4: {  	s18 =	sshll.u32 s0, $0xA;
	s2 =	sadd.s32 s3, s2  }
0x5: {  	s2 =	sadd.s32 s2, s18  }
0x6: {  	[smem:$0x3FC5] =	sst s2  }
0x7: {  	_ = 	snop  }
0x8: {  	(tm) =	ssettm $0x1  }
0x9: {  	s19 =	sld [smem:$0x3FFB];
	_ =	sdelay $0x3  }
0xa: {  	_ =	strace s19  }
0xb: {  	s2 =	sld [smem:$0x3FFC];
	_ =	sdelay $0x3  }
0xc: {  	_ =	strace s2  }
0xd: {  	s2 =	sld [smem:$0x3FFD];
	_ =	sdelay $0x3  }
0xe: {  	_ =	strace s2  }
0xf: {  	_ =	strace $0x8FFFFFFF  }
0x10: {  	s20 =	sld [smem:$0x3FDB];
	_ =	sdelay $0x1  }
0x11: {  	s21 =	simm.s32 $_scs_section_size  }
0x12: {  	s4 =	simm.s32 $_size__tile_overlayer_lowered;
	s5 =	simm.s32 $_tile_overlayer_lowered  }
0x13: {  	s6 =	simm.s32 $0x1BFF;
	s22 =	sshll.u32 s5, $0x1;
	s3 =	sadd.s32 s21, s20  }
0x14: {  	s23 =	simm.s32 $0x0;
	s4 =	sshll.u32 s4, $0x1;
	s5 =	sadd.s32 s22, s3  }
0x15: {  	[timem:s23], [sflag:s6] =	dma.local [hbm:s5], s4  }
0x16: {  	_ =	swait.ge [sflag:s6], s4  }
0x17: {  	s4 =	ssub.s32 $0x0, s4;
	[sflag:s6] =	ssyncset.done $0x0  }
0x18: {  	[sflag:s6] =	ssyncadd.s32 s4;
	_ =	sdelay $0x1  }
0x19: {  	s24 =	simm.s32 $0x1B8B  }
0x1a: {  	_ =	swait.ge [sflag:s24], $0x1  }
0x1b: {  	[sflag:s24] =	ssyncset.done $0x0  }
0x1c: {  	[sflag:s24] =	ssyncadd.s32 $0xFFFFFFFF  }
0x1d: {  	s4 =	sld [smem:$0x0]  }
0x1e: {  	s5 =	sand.u32 $0xFFFFFFFE, s1  }
0x1f: {  	p0 =	sne.s32 s1, s5  }
0x20: {  	s5 =	sshll.u32 @p0 s5, $0xE  }
0x21: {  	s5 =	sadd.s32 @p0 $0x11B8D, s5;
	s6 =	sshll.u32 @p0 s4, $0x11  }
0x22: {  	s5 =	sor.u32 @p0 s6, s5  }
0x23: {  	[sflag:s5] =	ssyncadd.remote.s32 @p0 $0x1;
	_ =	sdelay $0x1  }
0x24: {  	s5 =	simm.s32 @p0 $0x1B8D  }
0x25: {  	_ =	swait.eq @p0 [sflag:s5], $0x1  }
0x26: {  	[sflag:s5] =	ssyncadd.s32 @p0 $0xFFFFFFFF  }
0x27: {  	s6 =	sshll.u32 @!p0 s1, $0xE  }
0x28: {  	s6 =	sor.u32 @!p0 $0x4000, s6;
	s5 =	simm.s32 @!p0 $0x1B8D  }
0x29: {  	s4 =	sshll.u32 @!p0 s4, $0x11;
	s6 =	sadd.s32 @!p0 $0x11B8D, s6;
	_ =	swait.eq @!p0 [sflag:s5], $0x1  }
0x2a: {  	s4 =	sor.u32 @!p0 s4, s6;
	[sflag:s5] =	ssyncadd.s32 @!p0 $0xFFFFFFFF  }
0x2b: {  	s26 =	simm.s32 $0x1B8E;
	s25 =	sld [smem:$0x3FFE];
	[sflag:s4] =	ssyncadd.remote.s32 @!p0 $0x1  }
0x2c: {  	s27 =	simm.s32 $execute0_lowered;
	[smem:$0x3FD2] =	sst s26  }
0x2d: {  	s5 =	sshll.u32 s27, $0x1;
	_ =	strace $0x80000049;
	[dreg:$0x1] =	wrdreg $0xFFFFFFFF  }
0x2e: {  	s28 =	simm.s32 $_size_execute0_lowered;
	s3 =	sadd.s32 s3, s5;
	[dreg:$0x0] =	wrdreg $0x0  }
0x2f: {  	s5 =	sshll.u32 s28, $0x1;
	[dreg:$0x2] =	wrdreg s3  }
0x30: {  	[dreg:$0x3] =	wrdreg s5  }
0x31: {  	[dreg:$0x4] =	wrdreg $0xC0  }
0x32: {  	_ =	task [dreg:s23], $0x5FFFF  }
0x33: {  	[dreg:$0x1] =	wrdreg $0xFFFFFFFF  }
0x34: {  	[dreg:$0x0] =	wrdreg $0x60  }
0x35: {  	[dreg:$0x2] =	wrdreg s25  }
0x36: {  	[dreg:$0x3] =	wrdreg $0x9  }
0x37: {  	_ =	task.clear_ibuf [dreg:s23], $0x4FFFF;
	_ =	strace $0x90000049  }
0x38: {  	s29 =	simm.s32 $0x9;
	_ =	strace $0x8000004B  }
0x39: {  	_ =	swait.ge [sflag:s29], $0x1  }
0x3a: {  	[sflag:s29] =	ssyncadd.s32 $0xFFFFFFFF  }
0x3b: {  	_ =	strace $0x9000004B  }
0x3c: {  	_ =	sfence  }
0x3d: {  	s30 =	sld [smem:$0x0];
	_ =	sdelay $0x2  }
0x3e: {  	s31 =	sshll.u32 s1, $0xD;
	s1 =	sshrl.u32 s1, $0x2  }
0x3f: {  	s4 =	sand.u32 $0x4000, s31;
	s1 =	sadd.s32 s1, s30  }
0x40: {  	s0 =	sor.u32 s4, s0;
	s1 =	sshll.u32 s1, $0x11  }
0x41: {  	s0 =	sor.u32 s1, s0  }
0x42: {  	s0 =	sadd.s32 $0x8F2B, s0  }
0x43: {  	[sflag:s0] =	ssyncadd.remote.s32 $0x1  }
0x44: {  	_ =	sfence.sel $0xFFFF  }
0x45: {  	[dreg:$0x0] =	wrdreg $0xFFFFFFFF;
	(pc) =	sbr.abs _section_cstart, $3  }
0x46: {  	[dreg:$0x1] =	wrdreg $0xFFFFFFFF  }
0x47: {  	_ =	task.clear_ibuf [dreg:s23], $0x2FFFF;
	_ =	strace $0x9FFFFFFF  }
0x48: {  	(tm) =	ssettm $0x7FFFFFFF  }
0x49: {  	_ =	shalt  }
tec
execute0_lowered:
.L_overlay_start_1:
0x0: {  	(tag) =	ssettag $0x1  }
0x1: {  	s1 =	rddreg [dreg:$0x0]  }
0x2: {  	s0 =	rddreg [dreg:$0x1];
	_ =	strace $0x8000004A;
	s4 =	srdreg.scid  }
0x3: {  	s7 =	simm.s32 $0x2;
	s13 =	simm.s32 $0x0;
	p0 =	por $0x0, $0x0  }
0x4: {  	s15 =	simm.s32 $0x0;
	s14 =	simm.s32 $0x0;
	s16 =	simm.s32 $0x0  }
0x5: {  	s9 =	simm.s32 $0x0;
	s11 =	simm.s32 $0x0;
	s2 =	sadd.s32 $0x400C00, s1  }
.Ltmp0:
0x6: {  	s3 =	sadd.s32 $0x200C00, s1;
	s4 =	sshll.u32 s4, $0x4;
	(pc) =	sbr.rel .LBB1_1-.Ltmp0, $4  }
0x7: {  	s1 =	stileid.u32;
	s5 =	sand.u32 $0x10, s4;
	s4 =	simm.s32 $0x1  }
0x8: {  	s8 =	simm.s32 $0x0;
	s6 =	sor.u32 s1, s5;
	[sflag:s4] =	ssyncpa.u1 $0x0  }
0x9: {  	s5 =	sand.u32 $0x3, s1;
	s6 =	sshrl.u32 s6, $0x2;
	[sflag:s7] =	ssyncpa.u1 $0x0  }
0xa: {  	s7 =	simm.s32 $0x200;
	s12 =	smov.u32 s5;
	s10 =	smov.u32 s6  }
.LBB1_5:
0xb: {  	s17 =	sadd.s32 $0x80, s9  }
0xc: {  	s13 =	sadd.s32 $0x8, s10;
	s18 =	smov.u32 s10;
	p2 =	sgt.s32 s17, $0x7FF  }
0xd: {  	s18 =	smov.u32 @p2 s13  }
0xe: {  	s19 =	smov.u32 s11;
	s13 =	sadd.s32 $0x80, s11;
	p3 =	sgt.s32 s18, $0xF  }
0xf: {  	s19 =	smov.u32 @p3 s13  }
0x10: {  	s20 =	smov.u32 s12;
	s13 =	sadd.s32 $0x4, s12;
	p4 =	sgt.s32 s19, $0x7F  }
0x11: {  	p1 =	slt.u32 s8, $0x2;
	s20 =	smov.u32 @p4 s13  }
0x12: {  	s8 =	sadd.s32 $0x1, s8;
	s17 =	simm.s32 @p2 $0x0;
	p2 =	sgt.s32 s20, $0x3  }
0x13: {  	s21 =	simm.s32 @!p1 $0x2;
	s20 =	smov.u32 @p2 s5;
	p2 =	sne.s32 s8, $0x22  }
.Ltmp1:
0x14: {  	s15 =	smov.u32 s10;
	_ =	swait.ge @!p1 [sflag:s21], $0x4000;
	(pc) =	sbr.rel @!p2 .LBB1_6-.Ltmp1, $4  }
0x15: {  	s14 =	smov.u32 s11;
	s16 =	smov.u32 s12;
	[sflag:s21] =	ssyncset.done @!p1 $0x0  }
0x16: {  	p0 =	por !p0, !p0;
	s18 =	smov.u32 @p3 s6;
	[sflag:s21] =	ssyncadd.s32 @!p1 $0xFFFFC000  }
0x17: {  	s10 =	smov.u32 s18;
	s19 =	simm.s32 @p4 $0x0;
	s13 =	smov.u32 s9  }
0x18: {  	s9 =	smov.u32 s17;
	s11 =	smov.u32 s19;
	s12 =	smov.u32 s20  }
.LBB1_1:
0x19: {  	p1 =	sgt.u32 s8, $0x1F  }
0x1a: {  	s17 =	sxor.u32 @!p1 $0xFFFFFFFF, s8;
	s18 =	sand.u32 @!p1 $0x78, s9  }
0x1b: {  	s19 =	sshll.u32 @!p1 s10, $0x7;
	s20 =	sshll.u32 @!p1 s10, $0xB;
	s21 =	sshll.u32 @!p1 s9, $0x3  }
0x1c: {  	s17 =	sshll.u32 @!p1 s17, $0xE;
	s19 =	sand.u32 @!p1 $0x380, s19;
	s20 =	sand.u32 @!p1 $0x4000, s20  }
0x1d: {  	s17 =	sand.u32 @!p1 $0x4000, s17;
	s18 =	sor.u32 @!p1 s19, s18;
	s19 =	sand.u32 @!p1 $0x400, s21  }
0x1e: {  	s20 =	sadd.s32 @!p1 s20, s21;
	s18 =	sor.u32 @!p1 s19, s18;
	s19 =	sshll.u32 @!p1 s12, $0x13  }
0x1f: {  	s21 =	sshll.u32 @!p1 s11, $0xC;
	s20 =	sshrl.u32 @!p1 s20, $0x3;
	s19 =	sadd.s32 @!p1 s2, s19  }
0x20: {  	s20 =	sand.u32 @!p1 $0xF00, s20;
	s19 =	sadd.s32 @!p1 s21, s19;
	s21 =	sand.u32 @!p1 $0x7, s9  }
0x21: {  	s18 =	sshrl.u32 @!p1 s18, $0x3;
	s19 =	sadd.s32 @!p1 s20, s19;
	s20 =	sshll.u32 @!p1 s21, $0x12  }
0x22: {  	s18 =	sadd.s32 @!p1 s18, s19;
	s19 =	sor.u32 @!p1 $0x80, s20;
	s20 =	simm.s32 @!p1 $0x8000  }
0x23: {  	[tilespmem:s17], [sflag:$0x1] =	stream.strided.gather @!p1 [hbm4b:s18+s19], $0x4000, s20, s19, $0x38;
	[tilespmem:$0x10100] =	vst v63  }
0x24: {  	p1 =	seq.s32 s8, $0x0  }
0x25: {  	p2 =	seq.s32 @!p1 s8, $0x21  }
0x26: {  	p1 =	por p1, p2  }
.Ltmp2:
0x27: {  	_ = 	snop;
	(pc) =	sbr.rel @p1 .LBB1_5-.Ltmp2, $1  }
0x28: {  	_ =	sdelay $0x3  }
0x29: {  	s17 =	simm.s32 $0x1  }
0x2a: {  	_ =	swait.ge [sflag:s4], $0x4000;
	s17 =	simm.s32 @!p0 $0x0  }
0x2b: {  	[sflag:s4] =	ssyncset.done $0x0;
	s18 =	sshll.u32 s17, $0xE  }
0x2c: {  	[sflag:s4] =	ssyncadd.s32 $0xFFFFC000;
	s20 =	sor.u32 $0x40, s18  }
0x2d: {  	s17 =	smul.u32 $0x10200, s17;
	v0 =	vld [tilespmem:s20+$0x30]  }
0x2e: {  	v3 =	vld [tilespmem:s20+$0xFFFFFFD0]  }
0x2f: {  	s17 =	sshrl.u32 s17, $0x2;
	v4 =	vld [tilespmem:s20+$0xFFFFFFE0]  }
0x30: {  	v5 =	vld [tilespmem:s20+$0xFFFFFFF0];
	s18 =	sor.u32 $0x8000, s17  }
0x31: {  	s31 =	sand.u32 $0x1, s8;
	v1 =	vld [tilespmem:s20+$0x0];
	s19 =	sadd.s32 $0x0, s18  }
0x32: {  	v2 =	vld [tilespmem:s20+$0x10];
	s17 =	smul.u32 $0x10200, s31;
	[tilespmem:s19+$0x3870 ss:$0x81] =	vst.msk $0xffff, v0  }
0x33: {  	[tilespmem:s19+$0x810 ss:$0x81] =	vst.msk $0xffff, v3;
	v3 =	vld [tilespmem:s20+$0x20]  }
0x34: {  	s17 =	sshrl.u32 s17, $0x2;
	v0 =	vld [tilespmem:s20+$0xFFFFFFC0];
	[tilespmem:s19+$0x1020 ss:$0x81] =	vst.msk $0xffff, v4;
	s20 =	sadd.s32 $0x80, s20  }
0x35: {  	s21 =	simm.s32 $0x4;
	s22 =	simm.s32 $0x8;
	s17 =	sor.u32 $0x8000, s17;
	[tilespmem:s19+$0x1830 ss:$0x81] =	vst.msk $0xffff, v5;
	v4 =	vld [tilespmem:s20+$0x30]  }
.LBB1_3:
0x36: {  	p1 =	sne.s32 s22, $0x1FC;
	v5 =	vld [tilespmem:s20+$0xFFFFFFD0];
	[tilespmem:s19+$0x2040 ss:$0x81] =	vst.msk $0xffff, v1  }
0x37: {  	v6 =	vld [tilespmem:s20+$0xFFFFFFE0];
	[tilespmem:s19+$0x2850 ss:$0x81] =	vst.msk $0xffff, v2  }
0x38: {  	s23 =	sshra.s32 s21, $0x2;
	s21 =	smov.u32 s22;
	v7 =	vld [tilespmem:s20+$0xFFFFFFF0];
	[tilespmem:s19+$0x3060 ss:$0x81] =	vst.msk $0xffff, v3  }
.Ltmp3:
0x39: {  	v1 =	vld [tilespmem:s20+$0x0];
	[tilespmem:s19+$0x0 ss:$0x81] =	vst.msk $0xffff, v0;
	s19 =	sadd.s32 s23, s18;
	(pc) =	sbr.rel @p1 .LBB1_3-.Ltmp3, $4  }
0x3a: {  	v2 =	vld [tilespmem:s20+$0x10];
	[tilespmem:s19+$0x3870 ss:$0x81] =	vst.msk $0xffff, v4  }
0x3b: {  	[tilespmem:s19+$0x810 ss:$0x81] =	vst.msk $0xffff, v5;
	v3 =	vld [tilespmem:s20+$0x20]  }
0x3c: {  	v0 =	vld [tilespmem:s20+$0xFFFFFFC0];
	[tilespmem:s19+$0x1020 ss:$0x81] =	vst.msk $0xffff, v6;
	s20 =	sadd.s32 $0x80, s20  }
0x3d: {  	s22 =	sadd.s32 $0x4, s22;
	v4 =	vld [tilespmem:s20+$0x30];
	[tilespmem:s19+$0x1830 ss:$0x81] =	vst.msk $0xffff, v7  }
0x3e: {  	v5 =	vld [tilespmem:s20+$0xFFFFFFD0];
	[tilespmem:s19+$0x2040 ss:$0x81] =	vst.msk $0xffff, v1  }
0x3f: {  	v58 =	vld [tilespmem:s20+$0xFFFFFFE0];
	[tilespmem:s19+$0x2850 ss:$0x81] =	vst.msk $0xffff, v2  }
0x40: {  	s21 =	sshra.s32 s21, $0x2;
	v59 =	vld [tilespmem:s20+$0xFFFFFFF0];
	[tilespmem:s19+$0x3060 ss:$0x81] =	vst.msk $0xffff, v3  }
0x41: {  	v60 =	vld [tilespmem:s20+$0x0];
	s18 =	sadd.s32 s21, s18;
	[tilespmem:s19+$0x0 ss:$0x81] =	vst.msk $0xffff, v0  }
0x42: {  	v61 =	vld [tilespmem:s20+$0x10];
	[tilespmem:s18+$0x3870 ss:$0x81] =	vst.msk $0xffff, v4  }
0x43: {  	v62 =	vld [tilespmem:s20+$0x20];
	[tilespmem:s18+$0x810 ss:$0x81] =	vst.msk $0xffff, v5  }
0x44: {  	v63 =	vld [tilespmem:s20+$0xFFFFFFC0];
	s16 =	sshll.u32 s16, $0x4;
	[tilespmem:s18+$0x1020 ss:$0x81] =	vst.msk $0xffff, v58  }
0x45: {  	s15 =	sshll.u32 s15, $0x11;
	s16 =	sand.u32 $0x30, s16;
	[tilespmem:s18+$0x1830 ss:$0x81] =	vst.msk $0xffff, v59  }
.Ltmp4:
0x46: {  	s30 =	sshrl.u32 s14, $0x3;
	s16 =	sadd.s32 s3, s16;
	[tilespmem:s18+$0x2040 ss:$0x81] =	vst.msk $0xffff, v60;
	(pc) =	sbr.rel .LBB1_5-.Ltmp4, $4  }
0x47: {  	s31 =	sand.u32 $0x7, s14;
	s19 =	sand.u32 $0xF, s30;
	s15 =	sadd.s32 s15, s16;
	[tilespmem:s18+$0x2850 ss:$0x81] =	vst.msk $0xffff, v61  }
0x48: {  	s13 =	sshll.u32 s13, $0x6;
	s14 =	sshll.u32 s31, $0x12;
	s15 =	sadd.s32 s19, s15;
	[tilespmem:s18+$0x3060 ss:$0x81] =	vst.msk $0xffff, v62  }
0x49: {  	s14 =	sor.u32 $0x80, s14;
	[tilespmem:s18+$0x0 ss:$0x81] =	vst.msk $0xffff, v63;
	s13 =	sadd.s32 s13, s15  }
0x4a: {  	[hbm4b:s13+s14] =	stream.strided.scatter [tilespmem:s17], [sflag:$0x2], $0x4000, s7, s14, $0x20;
	[tilespmem:$0x10100] =	vst v63  }
.LBB1_6:
0x4b: {  	_ =	sfence.sel $0x180000  }
0x4c: {  	s2 =	simm.s32 $0x1;
	[bflag:$0x0] =	sbarrier.arrive $0xFFFF  }
0x4d: {  	s31 =	simm.s32 $0x2;
	[sflag:s2] =	ssyncpa.u1 $0x1  }
0x4e: {  	[sflag:s31] =	ssyncpa.u1 $0x1  }
0x4f: {  	p0 =	sne.s32 s1, $0x0;
	_ =	strace $0x9000004A  }
0x50: {  	s0 =	sadd.s32 @!p0 $0x100000, s0;
	[bflag:$0x2] =	sbarrier.arrive $0xFFFF  }
0x51: {  	[sflag:s0] =	ssyncadd.tile.s32 @!p0 $0x1;
	_ =	shalt  }
.Lfunc_end1:
_tile_overlayer_lowered:
.L_overlay_start_2:
0x52: {  	(tag) =	ssettag $0x2  }
0x53: {  	s0 =	rddreg [dreg:$0x0];
	s2 =	stileid.u32  }
0x54: {  	s1 =	rddreg [dreg:$0x1];
	p0 =	sne.s32 s2, $0x0  }
0x55: {  	s3 =	rddreg [dreg:$0x2];
	[bflag:$0x3] =	sbarrier.arrive $0xFFFF;
	s2 =	simm.s32 @!p0 $0x1C01  }
0x56: {  	[timem:s3], [sflag:s2] =	dma.local @!p0 [hbm:s0], s1  }
0x57: {  	s0 =	simm.s32 @!p0 $0x1  }
0x58: {  	_ =	swait.ge @!p0 [sflag:s0], s1  }
0x59: {  	s1 =	ssub.s32 @!p0 $0x0, s1;
	[sflag:s0] =	ssyncset.done @!p0 $0x0  }
0x5a: {  	[sflag:s0] =	ssyncadd.s32 @!p0 s1  }
0x5b: {  	[bflag:$0x3] =	sbarrier.arrive $0xFFFF  }
0x5c: {  	_ =	shalt  }

</sc_bundles>
